<compile_context>
chip_gen: v7x
topology: tpu7x:2x2x1
jax: 0.10.2.dev20260603
libtpu: 0.0.44.dev20260713+nightly
codegen_flags: <defaults>
</compile_context>

<pallas_src>
import jax
import jax.numpy as jnp
from jax import lax
from jax.experimental import pallas as pl
from jax.experimental.pallas import tpu as pltpu
from jax.experimental.pallas import tpu_sc as plsc

C = 128
E = 8
H = 8
D = 16
T = 32
NEG = -1e9
EPS = 1e-5
CAP = 4096
NSLOT = E * CAP
NW = 32
CH = 128


def _attn_body(x_ref, g_ref, b_ref, wq_ref, wk_ref, wv_ref, wp_ref, bp_ref, o_ref):
    xb = x_ref[...]
    BB = xb.shape[0]
    mu = jnp.mean(xb, axis=-1, keepdims=True)
    var = jnp.mean((xb - mu) ** 2, axis=-1, keepdims=True)
    xn = (xb - mu) / jnp.sqrt(var + EPS) * g_ref[...] + b_ref[...]
    x2 = xn.reshape(BB * T, C)
    q = jnp.dot(x2, wq_ref[...], preferred_element_type=jnp.float32).reshape(BB, T, H, D)
    k = jnp.dot(x2, wk_ref[...], preferred_element_type=jnp.float32).reshape(BB, T, H, D)
    v = jnp.dot(x2, wv_ref[...], preferred_element_type=jnp.float32).reshape(BB, T, H, D)
    row = jax.lax.broadcasted_iota(jnp.int32, (T, T), 0)
    col = jax.lax.broadcasted_iota(jnp.int32, (T, T), 1)
    causal = row >= col
    scale = C ** -0.5
    outs = []
    for h in range(H):
        qh = q[:, :, h, :]
        kh = k[:, :, h, :]
        vh = v[:, :, h, :]
        s = jax.lax.dot_general(qh, kh, (((2,), (2,)), ((0,), (0,))),
                                preferred_element_type=jnp.float32) * scale
        s = jnp.where(causal[None, :, :], s, NEG)
        m = jnp.max(s, axis=-1, keepdims=True)
        e = jnp.exp(s - m)
        p = e / jnp.sum(e, axis=-1, keepdims=True)
        oh = jax.lax.dot_general(p, vh, (((2,), (1,)), ((0,), (0,))),
                                 preferred_element_type=jnp.float32)
        outs.append(oh)
    o = jnp.concatenate(outs, axis=-1).reshape(BB * T, C)
    y = jnp.dot(o, wp_ref[...], preferred_element_type=jnp.float32) + bp_ref[...]
    o_ref[...] = xb + y.reshape(BB, T, C)


def _router_body(x1_ref, g_ref, b_ref, wcat_ref, bcat_ref, nz_ref, tri_ref,
                 h_ref, pos_ref, mask_ref, gate_ref, aux_ref, cnt_ref, acc_ref):
    i = pl.program_id(0)

    @pl.when(i == 0)
    def _():
        acc_ref[...] = jnp.zeros_like(acc_ref)

    xb = x1_ref[...]
    mu = jnp.mean(xb, axis=-1, keepdims=True)
    var = jnp.mean((xb - mu) ** 2, axis=-1, keepdims=True)
    hh = (xb - mu) / jnp.sqrt(var + EPS) * g_ref[...] + b_ref[...]
    h_ref[...] = hh

    lc = jnp.dot(hh, wcat_ref[...], preferred_element_type=jnp.float32) + bcat_ref[...]
    logits = lc[:, 0:E]
    nlog = lc[:, E:2 * E]
    sk = lc[:, 2 * E:2 * E + 1]
    softp = jnp.logaddexp(nlog, 0.0)
    noisy = logits + nz_ref[...] * softp

    r8 = jax.lax.broadcasted_iota(jnp.int32, (E, E), 0)
    c8 = jax.lax.broadcasted_iota(jnp.int32, (E, E), 1)
    l8 = (r8 <= c8).astype(jnp.float32)
    m1 = jnp.max(noisy, axis=-1, keepdims=True)
    eq1 = (noisy == m1).astype(jnp.float32)
    cs1 = jnp.dot(eq1, l8, preferred_element_type=jnp.float32)
    first = (eq1 > 0) & (cs1 == 1.0)
    noisy2 = jnp.where(first, -3e38, noisy)
    m2 = jnp.max(noisy2, axis=-1, keepdims=True)
    eq2 = (noisy2 == m2).astype(jnp.float32)
    cs2 = jnp.dot(eq2, l8, preferred_element_type=jnp.float32)
    second = (eq2 > 0) & (cs2 == 1.0)
    topk = first | second

    z = jnp.where(topk, jnp.exp(noisy - m1), 0.0)
    gate = z / jnp.sum(z, axis=-1, keepdims=True)
    gate_ref[...] = gate

    ns = (jax.nn.sigmoid(sk) <= 0.5).astype(jnp.float32)
    emask = topk.astype(jnp.float32) * ns
    mask_ref[...] = emask

    posb = jnp.dot(tri_ref[...], emask, preferred_element_type=jnp.float32)
    pos = posb + acc_ref[0:1, 0:E]
    pos_ref[...] = pos

    lane = jax.lax.broadcasted_iota(jnp.int32, emask.shape, 1)
    aux_ref[...] = jnp.where(lane == 0, ns, 0.0)

    new_cnt = acc_ref[0:1, 0:E] + jnp.sum(emask, axis=0, keepdims=True)
    new_ns = acc_ref[0:1, E:E + 1] + jnp.sum(ns, keepdims=True).reshape(1, 1)
    rowc = jnp.concatenate([new_cnt, new_ns, jnp.zeros((1, 16 - E - 1), jnp.float32)], axis=1)
    acc_ref[...] = rowc
    cnt_ref[...] = rowc


def _slots_body(cnt_ref, pos_ref, mask_ref, gate_ref,
                i0_ref, i1_ref, w0_ref, w1_ref):
    i = pl.program_id(0)
    tglob = (i * 512.0
             + jax.lax.broadcasted_iota(jnp.int32, (512, 1), 0).astype(jnp.float32))
    sent = float(NSLOT) + tglob
    ntok = cnt_ref[0, E]
    cap = jnp.floor(ntok * 2.0 / 8.0)
    maskf = mask_ref[...]
    pos = pos_ref[...]
    gate = gate_ref[...]
    r8 = jax.lax.broadcasted_iota(jnp.int32, (E, E), 0)
    c8 = jax.lax.broadcasted_iota(jnp.int32, (E, E), 1)
    l8 = (r8 <= c8).astype(jnp.float32)
    cs = jnp.dot(maskf, l8, preferred_element_type=jnp.float32)
    firstb = (maskf > 0) & (cs == 1.0)
    secondb = (maskf > 0) & (cs == 2.0)
    within = pos <= cap
    lanef = jax.lax.broadcasted_iota(jnp.int32, maskf.shape, 1).astype(jnp.float32)
    slotv = lanef * CAP + pos - 1.0

    sel0 = firstb & within
    sel0f = sel0.astype(jnp.float32)
    has0 = jnp.sum(sel0f, axis=-1, keepdims=True)
    d0 = jnp.sum(sel0f * slotv, axis=-1, keepdims=True)
    d0 = jnp.where(has0 > 0, d0, sent)
    w0 = jnp.sum(sel0f * gate, axis=-1, keepdims=True)

    sel1 = secondb & within
    sel1f = sel1.astype(jnp.float32)
    has1 = jnp.sum(sel1f, axis=-1, keepdims=True)
    d1 = jnp.sum(sel1f * slotv, axis=-1, keepdims=True)
    d1 = jnp.where(has1 > 0, d1, sent)
    w1 = jnp.sum(sel1f * gate, axis=-1, keepdims=True)

    i0_ref[...] = d0.astype(jnp.int32)
    i1_ref[...] = d1.astype(jnp.int32)
    w0_ref[...] = w0
    w1_ref[...] = w1


def _ffn_body(cnt_ref, buf_ref, w1_ref, b1_ref, w2_ref, b2_ref, o_ref):
    e = pl.program_id(0)
    j = pl.program_id(1)
    lane = jax.lax.broadcasted_iota(jnp.int32, (1, 16), 1)
    cnte = jnp.sum(jnp.where(lane == e, cnt_ref[...], 0.0))
    ntok = cnt_ref[0, E]
    cap = jnp.floor(ntok * 2.0 / 8.0)
    used = jnp.minimum(cnte, cap)

    @pl.when((j * 512.0) < used)
    def _():
        hh = buf_ref[...].astype(jnp.bfloat16)
        t = jnp.maximum(jnp.dot(hh, w1_ref[0], preferred_element_type=jnp.float32)
                        + b1_ref[0], 0.0)
        o_ref[...] = jnp.dot(t.astype(jnp.bfloat16), w2_ref[0],
                             preferred_element_type=jnp.float32) + b2_ref[0]


def _combine_body(x1_ref, h_ref, g0_ref, g1_ref, w0_ref, w1_ref, aux_ref, o_ref):
    w0 = w0_ref[...]
    w1 = w1_ref[...]
    upd = (jnp.where(w0 > 0, g0_ref[...], 0.0) * w0
           + jnp.where(w1 > 0, g1_ref[...], 0.0) * w1)
    ns = aux_ref[:, 0:1]
    o_ref[...] = x1_ref[...] + jnp.where(ns > 0.5, upd, h_ref[...])


def _make_sc_scatter():
    mesh = plsc.VectorSubcoreMesh(core_axis_name="c", subcore_axis_name="s")

    @pl.kernel(
        mesh=mesh,
        out_type=jax.ShapeDtypeStruct((NSLOT + 16384 + 8, C), jnp.float32),
        scratch_types=[
            pltpu.VMEM((512, C), jnp.float32),
            pltpu.VMEM((4, CH), jnp.int32),
            pltpu.VMEM((4, CH), jnp.int32),
            pltpu.SemaphoreType.DMA,
            pltpu.SemaphoreType.DMA,
        ],
    )
    def sc_scatter(h_hbm, i0_hbm, i1_hbm, buf_hbm, rows_v, idx0_v, idx1_v, semi, sem):
        wid = lax.axis_index("s") * 2 + lax.axis_index("c")
        base = wid * 512
        c0 = pltpu.async_copy(h_hbm.at[pl.ds(base, 512)], rows_v, semi)
        c1 = pltpu.async_copy(i0_hbm.at[wid], idx0_v, semi)
        c2 = pltpu.async_copy(i1_hbm.at[wid], idx1_v, semi)
        c0.wait()
        c1.wait()
        c2.wait()
        cps = []
        for j in range(4):
            src = rows_v.at[pl.ds(j * CH, CH)]
            cps.append(pltpu.async_copy(src, buf_hbm.at[idx0_v.at[j]], sem))
            cps.append(pltpu.async_copy(src, buf_hbm.at[idx1_v.at[j]], sem))
        for cp in cps:
            cp.wait()

    return sc_scatter


def _make_sc_gather():
    mesh = plsc.VectorSubcoreMesh(core_axis_name="c", subcore_axis_name="s")

    @pl.kernel(
        mesh=mesh,
        out_type=[
            jax.ShapeDtypeStruct((NW * 512, C), jnp.float32),
            jax.ShapeDtypeStruct((NW * 512, C), jnp.float32),
        ],
        scratch_types=[
            pltpu.VMEM((256, C), jnp.float32),
            pltpu.VMEM((256, C), jnp.float32),
            pltpu.VMEM((4, CH), jnp.int32),
            pltpu.VMEM((4, CH), jnp.int32),
            pltpu.SemaphoreType.DMA,
            pltpu.SemaphoreType.DMA,
        ],
    )
    def sc_gather(fbuf_hbm, i0_hbm, i1_hbm, g0_hbm, g1_hbm,
                  rows0_v, rows1_v, idx0_v, idx1_v, semi, sem):
        wid = lax.axis_index("s") * 2 + lax.axis_index("c")
        base = wid * 512
        c1 = pltpu.async_copy(i0_hbm.at[wid], idx0_v, semi)
        c2 = pltpu.async_copy(i1_hbm.at[wid], idx1_v, semi)
        c1.wait()
        c2.wait()
        for half in range(2):
            cps = []
            for j in range(2):
                jj = half * 2 + j
                cps.append(pltpu.async_copy(
                    fbuf_hbm.at[idx0_v.at[jj]], rows0_v.at[pl.ds(j * CH, CH)], sem))
                cps.append(pltpu.async_copy(
                    fbuf_hbm.at[idx1_v.at[jj]], rows1_v.at[pl.ds(j * CH, CH)], sem))
            for cp in cps:
                cp.wait()
            o0 = pltpu.async_copy(
                rows0_v, g0_hbm.at[pl.ds(base + half * 256, 256)], semi)
            o1 = pltpu.async_copy(
                rows1_v, g1_hbm.at[pl.ds(base + half * 256, 256)], semi)
            o0.wait()
            o1.wait()

    return sc_gather


def kernel(x, ln1_g, ln1_b, Wq, Wk, Wv, Wp, bp, ln2_g, ln2_b, We, be, Wn, bn,
           Ws, bs, eW1, eb1, eW2, eb2):
    B = x.shape[0]
    N = B * T
    BB = 64
    BT = 512
    nb = B // BB
    nt = N // BT

    wq = Wq.transpose(1, 0, 2).reshape(C, C)
    wk = Wk.transpose(1, 0, 2).reshape(C, C)
    wv = Wv.transpose(1, 0, 2).reshape(C, C)
    g1 = ln1_g.reshape(1, C)
    b1 = ln1_b.reshape(1, C)
    bpr = bp.reshape(1, C)

    x1 = pl.pallas_call(
        _attn_body,
        grid=(nb,),
        in_specs=[
            pl.BlockSpec((BB, T, C), lambda i: (i, 0, 0)),
            pl.BlockSpec((1, C), lambda i: (0, 0)),
            pl.BlockSpec((1, C), lambda i: (0, 0)),
            pl.BlockSpec((C, C), lambda i: (0, 0)),
            pl.BlockSpec((C, C), lambda i: (0, 0)),
            pl.BlockSpec((C, C), lambda i: (0, 0)),
            pl.BlockSpec((C, C), lambda i: (0, 0)),
            pl.BlockSpec((1, C), lambda i: (0, 0)),
        ],
        out_specs=pl.BlockSpec((BB, T, C), lambda i: (i, 0, 0)),
        out_shape=jax.ShapeDtypeStruct((B, T, C), jnp.float32),
    )(x, g1, b1, wq, wk, wv, Wp, bpr)

    x1f = x1.reshape(N, C)
    wcat = jnp.zeros((C, 32), jnp.float32)
    wcat = wcat.at[:, 0:E].set(We).at[:, E:2 * E].set(Wn).at[:, 2 * E:2 * E + 1].set(Ws)
    bcat = jnp.zeros((1, 32), jnp.float32)
    bcat = bcat.at[0, 0:E].set(be).at[0, E:2 * E].set(bn).at[0, 2 * E:2 * E + 1].set(bs)
    nz = jax.random.normal(jax.random.key(42), (B, T, E), dtype=jnp.float32).reshape(N, E)
    tri = jnp.tril(jnp.ones((BT, BT), jnp.float32))
    g2 = ln2_g.reshape(1, C)
    b2 = ln2_b.reshape(1, C)

    h, pos, maskf, gate, aux, cnt = pl.pallas_call(
        _router_body,
        grid=(nt,),
        in_specs=[
            pl.BlockSpec((BT, C), lambda i: (i, 0)),
            pl.BlockSpec((1, C), lambda i: (0, 0)),
            pl.BlockSpec((1, C), lambda i: (0, 0)),
            pl.BlockSpec((C, 32), lambda i: (0, 0)),
            pl.BlockSpec((1, 32), lambda i: (0, 0)),
            pl.BlockSpec((BT, E), lambda i: (i, 0)),
            pl.BlockSpec((BT, BT), lambda i: (0, 0)),
        ],
        out_specs=[
            pl.BlockSpec((BT, C), lambda i: (i, 0)),
            pl.BlockSpec((BT, E), lambda i: (i, 0)),
            pl.BlockSpec((BT, E), lambda i: (i, 0)),
            pl.BlockSpec((BT, E), lambda i: (i, 0)),
            pl.BlockSpec((BT, E), lambda i: (i, 0)),
            pl.BlockSpec((1, 16), lambda i: (0, 0)),
        ],
        out_shape=[
            jax.ShapeDtypeStruct((N, C), jnp.float32),
            jax.ShapeDtypeStruct((N, E), jnp.float32),
            jax.ShapeDtypeStruct((N, E), jnp.float32),
            jax.ShapeDtypeStruct((N, E), jnp.float32),
            jax.ShapeDtypeStruct((N, E), jnp.float32),
            jax.ShapeDtypeStruct((1, 16), jnp.float32),
        ],
        scratch_shapes=[pltpu.VMEM((1, 16), jnp.float32)],
    )(x1f, g2, b2, wcat, bcat, nz, tri)

    i0, i1, w0, w1 = pl.pallas_call(
        _slots_body,
        grid=(nt,),
        in_specs=[
            pl.BlockSpec((1, 16), lambda i: (0, 0)),
            pl.BlockSpec((BT, E), lambda i: (i, 0)),
            pl.BlockSpec((BT, E), lambda i: (i, 0)),
            pl.BlockSpec((BT, E), lambda i: (i, 0)),
        ],
        out_specs=[
            pl.BlockSpec((BT, 1), lambda i: (i, 0)),
            pl.BlockSpec((BT, 1), lambda i: (i, 0)),
            pl.BlockSpec((BT, 1), lambda i: (i, 0)),
            pl.BlockSpec((BT, 1), lambda i: (i, 0)),
        ],
        out_shape=[
            jax.ShapeDtypeStruct((N, 1), jnp.int32),
            jax.ShapeDtypeStruct((N, 1), jnp.int32),
            jax.ShapeDtypeStruct((N, 1), jnp.float32),
            jax.ShapeDtypeStruct((N, 1), jnp.float32),
        ],
    )(cnt, pos, maskf, gate)

    i0r = i0.reshape(NW, 4, CH)
    i1r = i1.reshape(NW, 4, CH)

    buf = _make_sc_scatter()(h, i0r, i1r)

    eb1r = eb1.reshape(E, 1, 4 * C)
    eb2r = eb2.reshape(E, 1, C)
    fbuf = pl.pallas_call(
        _ffn_body,
        grid=(E, CAP // 512),
        in_specs=[
            pl.BlockSpec((1, 16), lambda e, j: (0, 0)),
            pl.BlockSpec((512, C), lambda e, j: (e * (CAP // 512) + j, 0)),
            pl.BlockSpec((1, C, 4 * C), lambda e, j: (e, 0, 0)),
            pl.BlockSpec((1, 1, 4 * C), lambda e, j: (e, 0, 0)),
            pl.BlockSpec((1, 4 * C, C), lambda e, j: (e, 0, 0)),
            pl.BlockSpec((1, 1, C), lambda e, j: (e, 0, 0)),
        ],
        out_specs=pl.BlockSpec((512, C), lambda e, j: (e * (CAP // 512) + j, 0)),
        out_shape=jax.ShapeDtypeStruct((NSLOT + 16384 + 8, C), jnp.float32),
    )(cnt, buf, eW1.astype(jnp.bfloat16), eb1r, eW2.astype(jnp.bfloat16), eb2r)

    g0, g1r_ = _make_sc_gather()(fbuf, i0r, i1r)

    out = pl.pallas_call(
        _combine_body,
        grid=(nt,),
        in_specs=[
            pl.BlockSpec((BT, C), lambda i: (i, 0)),
            pl.BlockSpec((BT, C), lambda i: (i, 0)),
            pl.BlockSpec((BT, C), lambda i: (i, 0)),
            pl.BlockSpec((BT, C), lambda i: (i, 0)),
            pl.BlockSpec((BT, 1), lambda i: (i, 0)),
            pl.BlockSpec((BT, 1), lambda i: (i, 0)),
            pl.BlockSpec((BT, E), lambda i: (i, 0)),
        ],
        out_specs=pl.BlockSpec((BT, C), lambda i: (i, 0)),
        out_shape=jax.ShapeDtypeStruct((N, C), jnp.float32),
    )(x1f, h, g0, g1r_, w0, w1, aux)

    return out.reshape(B, T, C)

# --- scband reference (transcript-rebuilt; emitter-appended) ---
"""Pipeline reference for scband-cross-layer-block-63067299775270 (READ-ONLY COPY).

The authoritative reference and input builder live on the scoring server;
editing this copy changes nothing except your own understanding.
"""

import jax, jax.numpy as jnp
import numpy as np

N_EMBED = 128
NUM_EXPERTS = 8
TOP_K = 2
N_HEAD = 8
HEAD_SIZE = 16
SKIP_THR = 0.5
NEG = -1e9


def _layer_norm(x, g, b, eps=1e-5):
    mu = jnp.mean(x, axis=-1, keepdims=True)
    var = jnp.var(x, axis=-1, keepdims=True)
    return (x - mu) / jnp.sqrt(var + eps) * g + b


def _mha(x, Wq, Wk, Wv, Wp, bp):
    B, T, C = x.shape
    q = jnp.einsum('btc,hcd->bhtd', x, Wq)
    k = jnp.einsum('btc,hcd->bhtd', x, Wk)
    v = jnp.einsum('btc,hcd->bhtd', x, Wv)
    wei = jnp.einsum('bhtd,bhsd->bhts', q, k) * (C ** -0.5)
    tril = jnp.tril(jnp.ones((T, T), dtype=x.dtype))
    wei = jnp.where(tril == 0, NEG, wei)
    wei = jax.nn.softmax(wei, axis=-1)
    out = jnp.einsum('bhts,bhsd->bhtd', wei, v)
    out = jnp.transpose(out, (0, 2, 1, 3)).reshape(B, T, N_HEAD * HEAD_SIZE)
    return out @ Wp + bp


def _moe(h, We, be, Wn, bn, Ws, bs, eW1, eb1, eW2, eb2):
    B, T, C = h.shape
    logits = h @ We + be
    noise_logits = h @ Wn + bn
    noise = jax.random.normal(jax.random.key(42), logits.shape, dtype=logits.dtype) * jax.nn.softplus(noise_logits)
    noisy = logits + noise
    top_v, top_i = jax.lax.top_k(noisy, TOP_K)
    topk_mask = jax.nn.one_hot(top_i, NUM_EXPERTS, dtype=noisy.dtype).sum(axis=-2) > 0
    sparse_logits = jnp.where(topk_mask, noisy, NEG)
    gating = jax.nn.softmax(sparse_logits, axis=-1)
    skip_prob = jax.nn.sigmoid(h @ Ws + bs)
    skip = jnp.squeeze(skip_prob, -1) > SKIP_THR
    non_skip = jnp.logical_not(skip).reshape(-1)
    hf = h.reshape(-1, C)
    gf = gating.reshape(-1, NUM_EXPERTS)
    mf = topk_mask.reshape(-1, NUM_EXPERTS)
    n_tok = jnp.sum(non_skip.astype(jnp.int32))
    capacity = (n_tok * TOP_K) // NUM_EXPERTS
    updates = jnp.zeros_like(hf)
    for i in range(NUM_EXPERTS):
        emask = jnp.logical_and(mf[:, i], non_skip)
        pos = jnp.cumsum(emask.astype(jnp.int32))
        within = jnp.logical_and(emask, pos <= capacity)
        eo = jax.nn.relu(hf @ eW1[i] + eb1[i]) @ eW2[i] + eb2[i]
        updates = updates + eo * gf[:, i:i + 1] * within[:, None].astype(hf.dtype)
    out = jnp.where(non_skip[:, None], updates, hf)
    return out.reshape(B, T, C)


def _forward(x, ln1_g, ln1_b, Wq, Wk, Wv, Wp, bp, ln2_g, ln2_b, We, be, Wn, bn, Ws, bs, eW1, eb1, eW2, eb2):
    x = x + _mha(_layer_norm(x, ln1_g, ln1_b), Wq, Wk, Wv, Wp, bp)
    x = x + _moe(_layer_norm(x, ln2_g, ln2_b), We, be, Wn, bn, Ws, bs, eW1, eb1, eW2, eb2)
    return x


def setup_inputs(seed: int = 0):
    key = jax.random.key(seed)
    ks = jax.random.split(key, 16)
    B, T, C = 512, 32, N_EMBED
    s = 0.02
    inp = {}
    inp['x'] = jax.random.normal(ks[0], (B, T, C), dtype=jnp.float32)
    inp['ln1_g'] = jnp.ones((C,), jnp.float32)
    inp['ln1_b'] = jnp.zeros((C,), jnp.float32)
    inp['Wq'] = jax.random.normal(ks[1], (N_HEAD, C, HEAD_SIZE), jnp.float32) * s
    inp['Wk'] = jax.random.normal(ks[2], (N_HEAD, C, HEAD_SIZE), jnp.float32) * s
    inp['Wv'] = jax.random.normal(ks[3], (N_HEAD, C, HEAD_SIZE), jnp.float32) * s
    inp['Wp'] = jax.random.normal(ks[4], (N_HEAD * HEAD_SIZE, C), jnp.float32) * s
    inp['bp'] = jnp.zeros((C,), jnp.float32)
    inp['ln2_g'] = jnp.ones((C,), jnp.float32)
    inp['ln2_b'] = jnp.zeros((C,), jnp.float32)
    inp['We'] = jax.random.normal(ks[5], (C, NUM_EXPERTS), jnp.float32) * s
    inp['be'] = jnp.zeros((NUM_EXPERTS,), jnp.float32)
    inp['Wn'] = jax.random.normal(ks[6], (C, NUM_EXPERTS), jnp.float32) * s
    inp['bn'] = jnp.zeros((NUM_EXPERTS,), jnp.float32)
    inp['Ws'] = jax.random.normal(ks[7], (C, 1), jnp.float32) * s
    inp['bs'] = jnp.zeros((1,), jnp.float32)
    inp['eW1'] = jax.random.normal(ks[8], (NUM_EXPERTS, C, 4 * C), jnp.float32) * s
    inp['eb1'] = jnp.zeros((NUM_EXPERTS, 4 * C), jnp.float32)
    inp['eW2'] = jax.random.normal(ks[9], (NUM_EXPERTS, 4 * C, C), jnp.float32) * s
    inp['eb2'] = jnp.zeros((NUM_EXPERTS, C), jnp.float32)
    return inp


def reference(x, ln1_g, ln1_b, Wq, Wk, Wv, Wp, bp, ln2_g, ln2_b, We, be, Wn, bn, Ws, bs, eW1, eb1, eW2, eb2):
    return _forward(x, ln1_g, ln1_b, Wq, Wk, Wv, Wp, bp, ln2_g, ln2_b, We, be, Wn, bn, Ws, bs, eW1, eb1, eW2, eb2)

if __name__ == "__main__":
    import jax
    _d = setup_inputs()
    print(jax.jit(kernel)(*tuple(_d.values())))

</pallas_src>

<mosaic_0001>
#map = affine_map<(d0, d1) -> (0, 0)>
#map1 = affine_map<(d0, d1) -> (0, 0, 0)>
module attributes {stable_mosaic.version = 14 : i64} {
  func.func @sc_gather(%arg0: i32, %arg1: i32, %arg2: memref<49160x128xf32, #tpu.memory_space<hbm>>, %arg3: memref<32x4x128xi32, #tpu.memory_space<hbm>>, %arg4: memref<32x4x128xi32, #tpu.memory_space<hbm>>, %arg5: memref<16384x128xf32, #tpu.memory_space<hbm>>, %arg6: memref<16384x128xf32, #tpu.memory_space<hbm>>, %arg7: memref<256x128xf32, #tpu.memory_space<vmem>>, %arg8: memref<256x128xf32, #tpu.memory_space<vmem>>, %arg9: memref<4x128xi32, #tpu.memory_space<vmem>>, %arg10: memref<4x128xi32, #tpu.memory_space<vmem>>, %arg11: memref<!tpu.dma_semaphore, #tpu.memory_space<semaphore_mem>>, %arg12: memref<!tpu.dma_semaphore, #tpu.memory_space<semaphore_mem>>) attributes {dimension_semantics = [#tpu.dimension_semantics<core_parallel>, #tpu.dimension_semantics<subcore_parallel>], iteration_bounds = array<i64: 2, 16>, scalar_prefetch = 0 : i64, scratch_operands = 6 : i64, tpu.core_type = #tpu.core_type<sc_vector_subcore>, window_params = [{transform_indices = #map}, {transform_indices = #map1}, {transform_indices = #map1}, {transform_indices = #map}, {transform_indices = #map}]} {
    %mul3A = arith.constant 2 : i32
    %mul3A_0 = arith.muli %arg1, %mul3A : i32
    %add3A = arith.addi %mul3A_0, %arg0 : i32
    %mul3A_1 = arith.constant 512 : i32
    %mul3A_2 = arith.muli %add3A, %mul3A_1 : i32
    %dma_start3A = arith.constant 0 : i32
    %dma_start3A_3 = arith.constant 0 : i32
    %dma_start3A_4 = tpu.memref_slice %arg3[%add3A, %dma_start3A, %dma_start3A_3] : memref<32x4x128xi32, #tpu.memory_space<hbm>> -> memref<1x4x128xi32, #tpu.memory_space<hbm>>
    %dma_start3A_5 = tpu.memref_squeeze %dma_start3A_4 : memref<1x4x128xi32, #tpu.memory_space<hbm>> -> memref<4x128xi32, #tpu.memory_space<hbm>>
    %dma_start3A_6 = arith.constant 0 : i32
    %dma_start3A_7 = arith.constant 0 : i32
    %dma_start3A_8 = tpu.memref_slice %arg3[%add3A, %dma_start3A_6, %dma_start3A_7] : memref<32x4x128xi32, #tpu.memory_space<hbm>> -> memref<1x4x128xi32, #tpu.memory_space<hbm>>
    %dma_start3A_9 = tpu.memref_squeeze %dma_start3A_8 : memref<1x4x128xi32, #tpu.memory_space<hbm>> -> memref<4x128xi32, #tpu.memory_space<hbm>>
    tpu.enqueue_dma source(%dma_start3A_9 : memref<4x128xi32, #tpu.memory_space<hbm>>) target(%arg9 : memref<4x128xi32, #tpu.memory_space<vmem>>) target_semaphore(%arg11 : memref<!tpu.dma_semaphore, #tpu.memory_space<semaphore_mem>>)
    %dma_start3A_10 = arith.constant 0 : i32
    %dma_start3A_11 = arith.constant 0 : i32
    %dma_start3A_12 = tpu.memref_slice %arg4[%add3A, %dma_start3A_10, %dma_start3A_11] : memref<32x4x128xi32, #tpu.memory_space<hbm>> -> memref<1x4x128xi32, #tpu.memory_space<hbm>>
    %dma_start3A_13 = tpu.memref_squeeze %dma_start3A_12 : memref<1x4x128xi32, #tpu.memory_space<hbm>> -> memref<4x128xi32, #tpu.memory_space<hbm>>
    %dma_start3A_14 = arith.constant 0 : i32
    %dma_start3A_15 = arith.constant 0 : i32
    %dma_start3A_16 = tpu.memref_slice %arg4[%add3A, %dma_start3A_14, %dma_start3A_15] : memref<32x4x128xi32, #tpu.memory_space<hbm>> -> memref<1x4x128xi32, #tpu.memory_space<hbm>>
    %dma_start3A_17 = tpu.memref_squeeze %dma_start3A_16 : memref<1x4x128xi32, #tpu.memory_space<hbm>> -> memref<4x128xi32, #tpu.memory_space<hbm>>
    tpu.enqueue_dma source(%dma_start3A_17 : memref<4x128xi32, #tpu.memory_space<hbm>>) target(%arg10 : memref<4x128xi32, #tpu.memory_space<vmem>>) target_semaphore(%arg11 : memref<!tpu.dma_semaphore, #tpu.memory_space<semaphore_mem>>)
    %dma_wait3A = arith.constant 0 : i32
    %dma_wait3A_18 = arith.constant 0 : i32
    %dma_wait3A_19 = tpu.memref_slice %arg3[%add3A, %dma_wait3A, %dma_wait3A_18] : memref<32x4x128xi32, #tpu.memory_space<hbm>> -> memref<1x4x128xi32, #tpu.memory_space<hbm>>
    %dma_wait3A_20 = tpu.memref_squeeze %dma_wait3A_19 : memref<1x4x128xi32, #tpu.memory_space<hbm>> -> memref<4x128xi32, #tpu.memory_space<hbm>>
    %dma_wait3A_21 = arith.constant 0 : i32
    %dma_wait3A_22 = arith.constant 0 : i32
    %dma_wait3A_23 = tpu.memref_slice %arg3[%add3A, %dma_wait3A_21, %dma_wait3A_22] : memref<32x4x128xi32, #tpu.memory_space<hbm>> -> memref<1x4x128xi32, #tpu.memory_space<hbm>>
    %dma_wait3A_24 = tpu.memref_squeeze %dma_wait3A_23 : memref<1x4x128xi32, #tpu.memory_space<hbm>> -> memref<4x128xi32, #tpu.memory_space<hbm>>
    tpu.wait_dma2 semaphore(%arg11 : memref<!tpu.dma_semaphore, #tpu.memory_space<semaphore_mem>>) src(%dma_wait3A_24 : memref<4x128xi32, #tpu.memory_space<hbm>>) dst(%arg9 : memref<4x128xi32, #tpu.memory_space<vmem>>)
    %dma_wait3A_25 = arith.constant 0 : i32
    %dma_wait3A_26 = arith.constant 0 : i32
    %dma_wait3A_27 = tpu.memref_slice %arg4[%add3A, %dma_wait3A_25, %dma_wait3A_26] : memref<32x4x128xi32, #tpu.memory_space<hbm>> -> memref<1x4x128xi32, #tpu.memory_space<hbm>>
    %dma_wait3A_28 = tpu.memref_squeeze %dma_wait3A_27 : memref<1x4x128xi32, #tpu.memory_space<hbm>> -> memref<4x128xi32, #tpu.memory_space<hbm>>
    %dma_wait3A_29 = arith.constant 0 : i32
    %dma_wait3A_30 = arith.constant 0 : i32
    %dma_wait3A_31 = tpu.memref_slice %arg4[%add3A, %dma_wait3A_29, %dma_wait3A_30] : memref<32x4x128xi32, #tpu.memory_space<hbm>> -> memref<1x4x128xi32, #tpu.memory_space<hbm>>
    %dma_wait3A_32 = tpu.memref_squeeze %dma_wait3A_31 : memref<1x4x128xi32, #tpu.memory_space<hbm>> -> memref<4x128xi32, #tpu.memory_space<hbm>>
    tpu.wait_dma2 semaphore(%arg11 : memref<!tpu.dma_semaphore, #tpu.memory_space<semaphore_mem>>) src(%dma_wait3A_32 : memref<4x128xi32, #tpu.memory_space<hbm>>) dst(%arg10 : memref<4x128xi32, #tpu.memory_space<vmem>>)
    %dma_start3A_33 = arith.constant 0 : i32
    %dma_start3A_34 = arith.constant 0 : i32
    %dma_start3A_35 = arith.constant 0 : i32
    %dma_start3A_36 = tpu.memref_slice %arg7[%dma_start3A_34, %dma_start3A_35] : memref<256x128xf32, #tpu.memory_space<vmem>> -> memref<128x128xf32, #tpu.memory_space<vmem>>
    %dma_start3A_37 = arith.constant 0 : i32
    %dma_start3A_38 = tpu.memref_slice %arg9[%dma_start3A_33, %dma_start3A_37] : memref<4x128xi32, #tpu.memory_space<vmem>> -> memref<1x128xi32, #tpu.memory_space<vmem>>
    %dma_start3A_39 = tpu.memref_squeeze %dma_start3A_38 : memref<1x128xi32, #tpu.memory_space<vmem>> -> memref<128xi32, #tpu.memory_space<vmem>>
    %dma_start3A_40 = arith.constant 0 : i32
    %dma_start3A_41 = arith.constant 0 : i32
    %dma_start3A_42 = tpu.memref_slice %arg2[%dma_start3A_40, %dma_start3A_41] : memref<49160x128xf32, #tpu.memory_space<hbm>> -> memref<49160x128xf32, #tpu.memory_space<hbm>>
    tpu.enqueue_indirect_dma source(%dma_start3A_42 : memref<49160x128xf32, #tpu.memory_space<hbm>>) target(%dma_start3A_36 : memref<128x128xf32, #tpu.memory_space<vmem>>) offsets(%dma_start3A_39 : memref<128xi32, #tpu.memory_space<vmem>>) semaphore(%arg12 : memref<!tpu.dma_semaphore, #tpu.memory_space<semaphore_mem>>)
    %dma_start3A_43 = arith.constant 0 : i32
    %dma_start3A_44 = arith.constant 0 : i32
    %dma_start3A_45 = arith.constant 0 : i32
    %dma_start3A_46 = tpu.memref_slice %arg8[%dma_start3A_44, %dma_start3A_45] : memref<256x128xf32, #tpu.memory_space<vmem>> -> memref<128x128xf32, #tpu.memory_space<vmem>>
    %dma_start3A_47 = arith.constant 0 : i32
    %dma_start3A_48 = tpu.memref_slice %arg10[%dma_start3A_43, %dma_start3A_47] : memref<4x128xi32, #tpu.memory_space<vmem>> -> memref<1x128xi32, #tpu.memory_space<vmem>>
    %dma_start3A_49 = tpu.memref_squeeze %dma_start3A_48 : memref<1x128xi32, #tpu.memory_space<vmem>> -> memref<128xi32, #tpu.memory_space<vmem>>
    %dma_start3A_50 = arith.constant 0 : i32
    %dma_start3A_51 = arith.constant 0 : i32
    %dma_start3A_52 = tpu.memref_slice %arg2[%dma_start3A_50, %dma_start3A_51] : memref<49160x128xf32, #tpu.memory_space<hbm>> -> memref<49160x128xf32, #tpu.memory_space<hbm>>
    tpu.enqueue_indirect_dma source(%dma_start3A_52 : memref<49160x128xf32, #tpu.memory_space<hbm>>) target(%dma_start3A_46 : memref<128x128xf32, #tpu.memory_space<vmem>>) offsets(%dma_start3A_49 : memref<128xi32, #tpu.memory_space<vmem>>) semaphore(%arg12 : memref<!tpu.dma_semaphore, #tpu.memory_space<semaphore_mem>>)
    %dma_start3A_53 = arith.constant 1 : i32
    %dma_start3A_54 = arith.constant 128 : i32
    %dma_start3A_55 = arith.constant 0 : i32
    %dma_start3A_56 = tpu.memref_slice %arg7[%dma_start3A_54, %dma_start3A_55] : memref<256x128xf32, #tpu.memory_space<vmem>> -> memref<128x128xf32, #tpu.memory_space<vmem>>
    %dma_start3A_57 = arith.constant 0 : i32
    %dma_start3A_58 = tpu.memref_slice %arg9[%dma_start3A_53, %dma_start3A_57] : memref<4x128xi32, #tpu.memory_space<vmem>> -> memref<1x128xi32, #tpu.memory_space<vmem>>
    %dma_start3A_59 = tpu.memref_squeeze %dma_start3A_58 : memref<1x128xi32, #tpu.memory_space<vmem>> -> memref<128xi32, #tpu.memory_space<vmem>>
    %dma_start3A_60 = arith.constant 0 : i32
    %dma_start3A_61 = arith.constant 0 : i32
    %dma_start3A_62 = tpu.memref_slice %arg2[%dma_start3A_60, %dma_start3A_61] : memref<49160x128xf32, #tpu.memory_space<hbm>> -> memref<49160x128xf32, #tpu.memory_space<hbm>>
    tpu.enqueue_indirect_dma source(%dma_start3A_62 : memref<49160x128xf32, #tpu.memory_space<hbm>>) target(%dma_start3A_56 : memref<128x128xf32, #tpu.memory_space<vmem>>) offsets(%dma_start3A_59 : memref<128xi32, #tpu.memory_space<vmem>>) semaphore(%arg12 : memref<!tpu.dma_semaphore, #tpu.memory_space<semaphore_mem>>)
    %dma_start3A_63 = arith.constant 1 : i32
    %dma_start3A_64 = arith.constant 128 : i32
    %dma_start3A_65 = arith.constant 0 : i32
    %dma_start3A_66 = tpu.memref_slice %arg8[%dma_start3A_64, %dma_start3A_65] : memref<256x128xf32, #tpu.memory_space<vmem>> -> memref<128x128xf32, #tpu.memory_space<vmem>>
    %dma_start3A_67 = arith.constant 0 : i32
    %dma_start3A_68 = tpu.memref_slice %arg10[%dma_start3A_63, %dma_start3A_67] : memref<4x128xi32, #tpu.memory_space<vmem>> -> memref<1x128xi32, #tpu.memory_space<vmem>>
    %dma_start3A_69 = tpu.memref_squeeze %dma_start3A_68 : memref<1x128xi32, #tpu.memory_space<vmem>> -> memref<128xi32, #tpu.memory_space<vmem>>
    %dma_start3A_70 = arith.constant 0 : i32
    %dma_start3A_71 = arith.constant 0 : i32
    %dma_start3A_72 = tpu.memref_slice %arg2[%dma_start3A_70, %dma_start3A_71] : memref<49160x128xf32, #tpu.memory_space<hbm>> -> memref<49160x128xf32, #tpu.memory_space<hbm>>
    tpu.enqueue_indirect_dma source(%dma_start3A_72 : memref<49160x128xf32, #tpu.memory_space<hbm>>) target(%dma_start3A_66 : memref<128x128xf32, #tpu.memory_space<vmem>>) offsets(%dma_start3A_69 : memref<128xi32, #tpu.memory_space<vmem>>) semaphore(%arg12 : memref<!tpu.dma_semaphore, #tpu.memory_space<semaphore_mem>>)
    %dma_wait3A_73 = arith.constant 0 : i32
    %dma_wait3A_74 = arith.constant 0 : i32
    %dma_wait3A_75 = arith.constant 0 : i32
    %dma_wait3A_76 = tpu.memref_slice %arg7[%dma_wait3A_74, %dma_wait3A_75] : memref<256x128xf32, #tpu.memory_space<vmem>> -> memref<128x128xf32, #tpu.memory_space<vmem>>
    %dma_wait3A_77 = arith.constant 0 : i32
    %dma_wait3A_78 = tpu.memref_slice %arg9[%dma_wait3A_73, %dma_wait3A_77] : memref<4x128xi32, #tpu.memory_space<vmem>> -> memref<1x128xi32, #tpu.memory_space<vmem>>
    %dma_wait3A_79 = tpu.memref_squeeze %dma_wait3A_78 : memref<1x128xi32, #tpu.memory_space<vmem>> -> memref<128xi32, #tpu.memory_space<vmem>>
    %dma_wait3A_80 = arith.constant 0 : i32
    %dma_wait3A_81 = arith.constant 0 : i32
    %dma_wait3A_82 = tpu.memref_slice %arg2[%dma_wait3A_80, %dma_wait3A_81] : memref<49160x128xf32, #tpu.memory_space<hbm>> -> memref<49160x128xf32, #tpu.memory_space<hbm>>
    tpu.wait_indirect_dma semaphore(%arg12 : memref<!tpu.dma_semaphore, #tpu.memory_space<semaphore_mem>>) src(%dma_wait3A_82 : memref<49160x128xf32, #tpu.memory_space<hbm>>) dst(%dma_wait3A_76 : memref<128x128xf32, #tpu.memory_space<vmem>>)
    %dma_wait3A_83 = arith.constant 0 : i32
    %dma_wait3A_84 = arith.constant 0 : i32
    %dma_wait3A_85 = arith.constant 0 : i32
    %dma_wait3A_86 = tpu.memref_slice %arg8[%dma_wait3A_84, %dma_wait3A_85] : memref<256x128xf32, #tpu.memory_space<vmem>> -> memref<128x128xf32, #tpu.memory_space<vmem>>
    %dma_wait3A_87 = arith.constant 0 : i32
    %dma_wait3A_88 = tpu.memref_slice %arg10[%dma_wait3A_83, %dma_wait3A_87] : memref<4x128xi32, #tpu.memory_space<vmem>> -> memref<1x128xi32, #tpu.memory_space<vmem>>
    %dma_wait3A_89 = tpu.memref_squeeze %dma_wait3A_88 : memref<1x128xi32, #tpu.memory_space<vmem>> -> memref<128xi32, #tpu.memory_space<vmem>>
    %dma_wait3A_90 = arith.constant 0 : i32
    %dma_wait3A_91 = arith.constant 0 : i32
    %dma_wait3A_92 = tpu.memref_slice %arg2[%dma_wait3A_90, %dma_wait3A_91] : memref<49160x128xf32, #tpu.memory_space<hbm>> -> memref<49160x128xf32, #tpu.memory_space<hbm>>
    tpu.wait_indirect_dma semaphore(%arg12 : memref<!tpu.dma_semaphore, #tpu.memory_space<semaphore_mem>>) src(%dma_wait3A_92 : memref<49160x128xf32, #tpu.memory_space<hbm>>) dst(%dma_wait3A_86 : memref<128x128xf32, #tpu.memory_space<vmem>>)
    %dma_wait3A_93 = arith.constant 1 : i32
    %dma_wait3A_94 = arith.constant 128 : i32
    %dma_wait3A_95 = arith.constant 0 : i32
    %dma_wait3A_96 = tpu.memref_slice %arg7[%dma_wait3A_94, %dma_wait3A_95] : memref<256x128xf32, #tpu.memory_space<vmem>> -> memref<128x128xf32, #tpu.memory_space<vmem>>
    %dma_wait3A_97 = arith.constant 0 : i32
    %dma_wait3A_98 = tpu.memref_slice %arg9[%dma_wait3A_93, %dma_wait3A_97] : memref<4x128xi32, #tpu.memory_space<vmem>> -> memref<1x128xi32, #tpu.memory_space<vmem>>
    %dma_wait3A_99 = tpu.memref_squeeze %dma_wait3A_98 : memref<1x128xi32, #tpu.memory_space<vmem>> -> memref<128xi32, #tpu.memory_space<vmem>>
    %dma_wait3A_100 = arith.constant 0 : i32
    %dma_wait3A_101 = arith.constant 0 : i32
    %dma_wait3A_102 = tpu.memref_slice %arg2[%dma_wait3A_100, %dma_wait3A_101] : memref<49160x128xf32, #tpu.memory_space<hbm>> -> memref<49160x128xf32, #tpu.memory_space<hbm>>
    tpu.wait_indirect_dma semaphore(%arg12 : memref<!tpu.dma_semaphore, #tpu.memory_space<semaphore_mem>>) src(%dma_wait3A_102 : memref<49160x128xf32, #tpu.memory_space<hbm>>) dst(%dma_wait3A_96 : memref<128x128xf32, #tpu.memory_space<vmem>>)
    %dma_wait3A_103 = arith.constant 1 : i32
    %dma_wait3A_104 = arith.constant 128 : i32
    %dma_wait3A_105 = arith.constant 0 : i32
    %dma_wait3A_106 = tpu.memref_slice %arg8[%dma_wait3A_104, %dma_wait3A_105] : memref<256x128xf32, #tpu.memory_space<vmem>> -> memref<128x128xf32, #tpu.memory_space<vmem>>
    %dma_wait3A_107 = arith.constant 0 : i32
    %dma_wait3A_108 = tpu.memref_slice %arg10[%dma_wait3A_103, %dma_wait3A_107] : memref<4x128xi32, #tpu.memory_space<vmem>> -> memref<1x128xi32, #tpu.memory_space<vmem>>
    %dma_wait3A_109 = tpu.memref_squeeze %dma_wait3A_108 : memref<1x128xi32, #tpu.memory_space<vmem>> -> memref<128xi32, #tpu.memory_space<vmem>>
    %dma_wait3A_110 = arith.constant 0 : i32
    %dma_wait3A_111 = arith.constant 0 : i32
    %dma_wait3A_112 = tpu.memref_slice %arg2[%dma_wait3A_110, %dma_wait3A_111] : memref<49160x128xf32, #tpu.memory_space<hbm>> -> memref<49160x128xf32, #tpu.memory_space<hbm>>
    tpu.wait_indirect_dma semaphore(%arg12 : memref<!tpu.dma_semaphore, #tpu.memory_space<semaphore_mem>>) src(%dma_wait3A_112 : memref<49160x128xf32, #tpu.memory_space<hbm>>) dst(%dma_wait3A_106 : memref<128x128xf32, #tpu.memory_space<vmem>>)
    %add3A_113 = arith.constant 0 : i32
    %add3A_114 = arith.addi %mul3A_2, %add3A_113 : i32
    %dma_start3A_115 = arith.constant 0 : i32
    %dma_start3A_116 = tpu.memref_slice %arg5[%add3A_114, %dma_start3A_115] : memref<16384x128xf32, #tpu.memory_space<hbm>> -> memref<256x128xf32, #tpu.memory_space<hbm>>
    %dma_start3A_117 = arith.constant 0 : i32
    %dma_start3A_118 = tpu.memref_slice %arg5[%add3A_114, %dma_start3A_117] : memref<16384x128xf32, #tpu.memory_space<hbm>> -> memref<256x128xf32, #tpu.memory_space<hbm>>
    tpu.enqueue_dma source(%arg7 : memref<256x128xf32, #tpu.memory_space<vmem>>) target(%dma_start3A_118 : memref<256x128xf32, #tpu.memory_space<hbm>>) target_semaphore(%arg11 : memref<!tpu.dma_semaphore, #tpu.memory_space<semaphore_mem>>)
    %add3A_119 = arith.constant 0 : i32
    %add3A_120 = arith.addi %mul3A_2, %add3A_119 : i32
    %dma_start3A_121 = arith.constant 0 : i32
    %dma_start3A_122 = tpu.memref_slice %arg6[%add3A_120, %dma_start3A_121] : memref<16384x128xf32, #tpu.memory_space<hbm>> -> memref<256x128xf32, #tpu.memory_space<hbm>>
    %dma_start3A_123 = arith.constant 0 : i32
    %dma_start3A_124 = tpu.memref_slice %arg6[%add3A_120, %dma_start3A_123] : memref<16384x128xf32, #tpu.memory_space<hbm>> -> memref<256x128xf32, #tpu.memory_space<hbm>>
    tpu.enqueue_dma source(%arg8 : memref<256x128xf32, #tpu.memory_space<vmem>>) target(%dma_start3A_124 : memref<256x128xf32, #tpu.memory_space<hbm>>) target_semaphore(%arg11 : memref<!tpu.dma_semaphore, #tpu.memory_space<semaphore_mem>>)
    %dma_wait3A_125 = arith.constant 0 : i32
    %dma_wait3A_126 = tpu.memref_slice %arg5[%add3A_114, %dma_wait3A_125] : memref<16384x128xf32, #tpu.memory_space<hbm>> -> memref<256x128xf32, #tpu.memory_space<hbm>>
    %dma_wait3A_127 = arith.constant 0 : i32
    %dma_wait3A_128 = tpu.memref_slice %arg5[%add3A_114, %dma_wait3A_127] : memref<16384x128xf32, #tpu.memory_space<hbm>> -> memref<256x128xf32, #tpu.memory_space<hbm>>
    tpu.wait_dma2 semaphore(%arg11 : memref<!tpu.dma_semaphore, #tpu.memory_space<semaphore_mem>>) src(%arg7 : memref<256x128xf32, #tpu.memory_space<vmem>>) dst(%dma_wait3A_128 : memref<256x128xf32, #tpu.memory_space<hbm>>)
    %dma_wait3A_129 = arith.constant 0 : i32
    %dma_wait3A_130 = tpu.memref_slice %arg6[%add3A_120, %dma_wait3A_129] : memref<16384x128xf32, #tpu.memory_space<hbm>> -> memref<256x128xf32, #tpu.memory_space<hbm>>
    %dma_wait3A_131 = arith.constant 0 : i32
    %dma_wait3A_132 = tpu.memref_slice %arg6[%add3A_120, %dma_wait3A_131] : memref<16384x128xf32, #tpu.memory_space<hbm>> -> memref<256x128xf32, #tpu.memory_space<hbm>>
    tpu.wait_dma2 semaphore(%arg11 : memref<!tpu.dma_semaphore, #tpu.memory_space<semaphore_mem>>) src(%arg8 : memref<256x128xf32, #tpu.memory_space<vmem>>) dst(%dma_wait3A_132 : memref<256x128xf32, #tpu.memory_space<hbm>>)
    %dma_start3A_133 = arith.constant 2 : i32
    %dma_start3A_134 = arith.constant 0 : i32
    %dma_start3A_135 = arith.constant 0 : i32
    %dma_start3A_136 = tpu.memref_slice %arg7[%dma_start3A_134, %dma_start3A_135] : memref<256x128xf32, #tpu.memory_space<vmem>> -> memref<128x128xf32, #tpu.memory_space<vmem>>
    %dma_start3A_137 = arith.constant 0 : i32
    %dma_start3A_138 = tpu.memref_slice %arg9[%dma_start3A_133, %dma_start3A_137] : memref<4x128xi32, #tpu.memory_space<vmem>> -> memref<1x128xi32, #tpu.memory_space<vmem>>
    %dma_start3A_139 = tpu.memref_squeeze %dma_start3A_138 : memref<1x128xi32, #tpu.memory_space<vmem>> -> memref<128xi32, #tpu.memory_space<vmem>>
    %dma_start3A_140 = arith.constant 0 : i32
    %dma_start3A_141 = arith.constant 0 : i32
    %dma_start3A_142 = tpu.memref_slice %arg2[%dma_start3A_140, %dma_start3A_141] : memref<49160x128xf32, #tpu.memory_space<hbm>> -> memref<49160x128xf32, #tpu.memory_space<hbm>>
    tpu.enqueue_indirect_dma source(%dma_start3A_142 : memref<49160x128xf32, #tpu.memory_space<hbm>>) target(%dma_start3A_136 : memref<128x128xf32, #tpu.memory_space<vmem>>) offsets(%dma_start3A_139 : memref<128xi32, #tpu.memory_space<vmem>>) semaphore(%arg12 : memref<!tpu.dma_semaphore, #tpu.memory_space<semaphore_mem>>)
    %dma_start3A_143 = arith.constant 2 : i32
    %dma_start3A_144 = arith.constant 0 : i32
    %dma_start3A_145 = arith.constant 0 : i32
    %dma_start3A_146 = tpu.memref_slice %arg8[%dma_start3A_144, %dma_start3A_145] : memref<256x128xf32, #tpu.memory_space<vmem>> -> memref<128x128xf32, #tpu.memory_space<vmem>>
    %dma_start3A_147 = arith.constant 0 : i32
    %dma_start3A_148 = tpu.memref_slice %arg10[%dma_start3A_143, %dma_start3A_147] : memref<4x128xi32, #tpu.memory_space<vmem>> -> memref<1x128xi32, #tpu.memory_space<vmem>>
    %dma_start3A_149 = tpu.memref_squeeze %dma_start3A_148 : memref<1x128xi32, #tpu.memory_space<vmem>> -> memref<128xi32, #tpu.memory_space<vmem>>
    %dma_start3A_150 = arith.constant 0 : i32
    %dma_start3A_151 = arith.constant 0 : i32
    %dma_start3A_152 = tpu.memref_slice %arg2[%dma_start3A_150, %dma_start3A_151] : memref<49160x128xf32, #tpu.memory_space<hbm>> -> memref<49160x128xf32, #tpu.memory_space<hbm>>
    tpu.enqueue_indirect_dma source(%dma_start3A_152 : memref<49160x128xf32, #tpu.memory_space<hbm>>) target(%dma_start3A_146 : memref<128x128xf32, #tpu.memory_space<vmem>>) offsets(%dma_start3A_149 : memref<128xi32, #tpu.memory_space<vmem>>) semaphore(%arg12 : memref<!tpu.dma_semaphore, #tpu.memory_space<semaphore_mem>>)
    %dma_start3A_153 = arith.constant 3 : i32
    %dma_start3A_154 = arith.constant 128 : i32
    %dma_start3A_155 = arith.constant 0 : i32
    %dma_start3A_156 = tpu.memref_slice %arg7[%dma_start3A_154, %dma_start3A_155] : memref<256x128xf32, #tpu.memory_space<vmem>> -> memref<128x128xf32, #tpu.memory_space<vmem>>
    %dma_start3A_157 = arith.constant 0 : i32
    %dma_start3A_158 = tpu.memref_slice %arg9[%dma_start3A_153, %dma_start3A_157] : memref<4x128xi32, #tpu.memory_space<vmem>> -> memref<1x128xi32, #tpu.memory_space<vmem>>
    %dma_start3A_159 = tpu.memref_squeeze %dma_start3A_158 : memref<1x128xi32, #tpu.memory_space<vmem>> -> memref<128xi32, #tpu.memory_space<vmem>>
    %dma_start3A_160 = arith.constant 0 : i32
    %dma_start3A_161 = arith.constant 0 : i32
    %dma_start3A_162 = tpu.memref_slice %arg2[%dma_start3A_160, %dma_start3A_161] : memref<49160x128xf32, #tpu.memory_space<hbm>> -> memref<49160x128xf32, #tpu.memory_space<hbm>>
    tpu.enqueue_indirect_dma source(%dma_start3A_162 : memref<49160x128xf32, #tpu.memory_space<hbm>>) target(%dma_start3A_156 : memref<128x128xf32, #tpu.memory_space<vmem>>) offsets(%dma_start3A_159 : memref<128xi32, #tpu.memory_space<vmem>>) semaphore(%arg12 : memref<!tpu.dma_semaphore, #tpu.memory_space<semaphore_mem>>)
    %dma_start3A_163 = arith.constant 3 : i32
    %dma_start3A_164 = arith.constant 128 : i32
    %dma_start3A_165 = arith.constant 0 : i32
    %dma_start3A_166 = tpu.memref_slice %arg8[%dma_start3A_164, %dma_start3A_165] : memref<256x128xf32, #tpu.memory_space<vmem>> -> memref<128x128xf32, #tpu.memory_space<vmem>>
    %dma_start3A_167 = arith.constant 0 : i32
    %dma_start3A_168 = tpu.memref_slice %arg10[%dma_start3A_163, %dma_start3A_167] : memref<4x128xi32, #tpu.memory_space<vmem>> -> memref<1x128xi32, #tpu.memory_space<vmem>>
    %dma_start3A_169 = tpu.memref_squeeze %dma_start3A_168 : memref<1x128xi32, #tpu.memory_space<vmem>> -> memref<128xi32, #tpu.memory_space<vmem>>
    %dma_start3A_170 = arith.constant 0 : i32
    %dma_start3A_171 = arith.constant 0 : i32
    %dma_start3A_172 = tpu.memref_slice %arg2[%dma_start3A_170, %dma_start3A_171] : memref<49160x128xf32, #tpu.memory_space<hbm>> -> memref<49160x128xf32, #tpu.memory_space<hbm>>
    tpu.enqueue_indirect_dma source(%dma_start3A_172 : memref<49160x128xf32, #tpu.memory_space<hbm>>) target(%dma_start3A_166 : memref<128x128xf32, #tpu.memory_space<vmem>>) offsets(%dma_start3A_169 : memref<128xi32, #tpu.memory_space<vmem>>) semaphore(%arg12 : memref<!tpu.dma_semaphore, #tpu.memory_space<semaphore_mem>>)
    %dma_wait3A_173 = arith.constant 2 : i32
    %dma_wait3A_174 = arith.constant 0 : i32
    %dma_wait3A_175 = arith.constant 0 : i32
    %dma_wait3A_176 = tpu.memref_slice %arg7[%dma_wait3A_174, %dma_wait3A_175] : memref<256x128xf32, #tpu.memory_space<vmem>> -> memref<128x128xf32, #tpu.memory_space<vmem>>
    %dma_wait3A_177 = arith.constant 0 : i32
    %dma_wait3A_178 = tpu.memref_slice %arg9[%dma_wait3A_173, %dma_wait3A_177] : memref<4x128xi32, #tpu.memory_space<vmem>> -> memref<1x128xi32, #tpu.memory_space<vmem>>
    %dma_wait3A_179 = tpu.memref_squeeze %dma_wait3A_178 : memref<1x128xi32, #tpu.memory_space<vmem>> -> memref<128xi32, #tpu.memory_space<vmem>>
    %dma_wait3A_180 = arith.constant 0 : i32
    %dma_wait3A_181 = arith.constant 0 : i32
    %dma_wait3A_182 = tpu.memref_slice %arg2[%dma_wait3A_180, %dma_wait3A_181] : memref<49160x128xf32, #tpu.memory_space<hbm>> -> memref<49160x128xf32, #tpu.memory_space<hbm>>
    tpu.wait_indirect_dma semaphore(%arg12 : memref<!tpu.dma_semaphore, #tpu.memory_space<semaphore_mem>>) src(%dma_wait3A_182 : memref<49160x128xf32, #tpu.memory_space<hbm>>) dst(%dma_wait3A_176 : memref<128x128xf32, #tpu.memory_space<vmem>>)
    %dma_wait3A_183 = arith.constant 2 : i32
    %dma_wait3A_184 = arith.constant 0 : i32
    %dma_wait3A_185 = arith.constant 0 : i32
    %dma_wait3A_186 = tpu.memref_slice %arg8[%dma_wait3A_184, %dma_wait3A_185] : memref<256x128xf32, #tpu.memory_space<vmem>> -> memref<128x128xf32, #tpu.memory_space<vmem>>
    %dma_wait3A_187 = arith.constant 0 : i32
    %dma_wait3A_188 = tpu.memref_slice %arg10[%dma_wait3A_183, %dma_wait3A_187] : memref<4x128xi32, #tpu.memory_space<vmem>> -> memref<1x128xi32, #tpu.memory_space<vmem>>
    %dma_wait3A_189 = tpu.memref_squeeze %dma_wait3A_188 : memref<1x128xi32, #tpu.memory_space<vmem>> -> memref<128xi32, #tpu.memory_space<vmem>>
    %dma_wait3A_190 = arith.constant 0 : i32
    %dma_wait3A_191 = arith.constant 0 : i32
    %dma_wait3A_192 = tpu.memref_slice %arg2[%dma_wait3A_190, %dma_wait3A_191] : memref<49160x128xf32, #tpu.memory_space<hbm>> -> memref<49160x128xf32, #tpu.memory_space<hbm>>
    tpu.wait_indirect_dma semaphore(%arg12 : memref<!tpu.dma_semaphore, #tpu.memory_space<semaphore_mem>>) src(%dma_wait3A_192 : memref<49160x128xf32, #tpu.memory_space<hbm>>) dst(%dma_wait3A_186 : memref<128x128xf32, #tpu.memory_space<vmem>>)
    %dma_wait3A_193 = arith.constant 3 : i32
    %dma_wait3A_194 = arith.constant 128 : i32
    %dma_wait3A_195 = arith.constant 0 : i32
    %dma_wait3A_196 = tpu.memref_slice %arg7[%dma_wait3A_194, %dma_wait3A_195] : memref<256x128xf32, #tpu.memory_space<vmem>> -> memref<128x128xf32, #tpu.memory_space<vmem>>
    %dma_wait3A_197 = arith.constant 0 : i32
    %dma_wait3A_198 = tpu.memref_slice %arg9[%dma_wait3A_193, %dma_wait3A_197] : memref<4x128xi32, #tpu.memory_space<vmem>> -> memref<1x128xi32, #tpu.memory_space<vmem>>
    %dma_wait3A_199 = tpu.memref_squeeze %dma_wait3A_198 : memref<1x128xi32, #tpu.memory_space<vmem>> -> memref<128xi32, #tpu.memory_space<vmem>>
    %dma_wait3A_200 = arith.constant 0 : i32
    %dma_wait3A_201 = arith.constant 0 : i32
    %dma_wait3A_202 = tpu.memref_slice %arg2[%dma_wait3A_200, %dma_wait3A_201] : memref<49160x128xf32, #tpu.memory_space<hbm>> -> memref<49160x128xf32, #tpu.memory_space<hbm>>
    tpu.wait_indirect_dma semaphore(%arg12 : memref<!tpu.dma_semaphore, #tpu.memory_space<semaphore_mem>>) src(%dma_wait3A_202 : memref<49160x128xf32, #tpu.memory_space<hbm>>) dst(%dma_wait3A_196 : memref<128x128xf32, #tpu.memory_space<vmem>>)
    %dma_wait3A_203 = arith.constant 3 : i32
    %dma_wait3A_204 = arith.constant 128 : i32
    %dma_wait3A_205 = arith.constant 0 : i32
    %dma_wait3A_206 = tpu.memref_slice %arg8[%dma_wait3A_204, %dma_wait3A_205] : memref<256x128xf32, #tpu.memory_space<vmem>> -> memref<128x128xf32, #tpu.memory_space<vmem>>
    %dma_wait3A_207 = arith.constant 0 : i32
    %dma_wait3A_208 = tpu.memref_slice %arg10[%dma_wait3A_203, %dma_wait3A_207] : memref<4x128xi32, #tpu.memory_space<vmem>> -> memref<1x128xi32, #tpu.memory_space<vmem>>
    %dma_wait3A_209 = tpu.memref_squeeze %dma_wait3A_208 : memref<1x128xi32, #tpu.memory_space<vmem>> -> memref<128xi32, #tpu.memory_space<vmem>>
    %dma_wait3A_210 = arith.constant 0 : i32
    %dma_wait3A_211 = arith.constant 0 : i32
    %dma_wait3A_212 = tpu.memref_slice %arg2[%dma_wait3A_210, %dma_wait3A_211] : memref<49160x128xf32, #tpu.memory_space<hbm>> -> memref<49160x128xf32, #tpu.memory_space<hbm>>
    tpu.wait_indirect_dma semaphore(%arg12 : memref<!tpu.dma_semaphore, #tpu.memory_space<semaphore_mem>>) src(%dma_wait3A_212 : memref<49160x128xf32, #tpu.memory_space<hbm>>) dst(%dma_wait3A_206 : memref<128x128xf32, #tpu.memory_space<vmem>>)
    %add3A_213 = arith.constant 256 : i32
    %add3A_214 = arith.addi %mul3A_2, %add3A_213 : i32
    %dma_start3A_215 = arith.constant 0 : i32
    %dma_start3A_216 = tpu.memref_slice %arg5[%add3A_214, %dma_start3A_215] : memref<16384x128xf32, #tpu.memory_space<hbm>> -> memref<256x128xf32, #tpu.memory_space<hbm>>
    %dma_start3A_217 = arith.constant 0 : i32
    %dma_start3A_218 = tpu.memref_slice %arg5[%add3A_214, %dma_start3A_217] : memref<16384x128xf32, #tpu.memory_space<hbm>> -> memref<256x128xf32, #tpu.memory_space<hbm>>
    tpu.enqueue_dma source(%arg7 : memref<256x128xf32, #tpu.memory_space<vmem>>) target(%dma_start3A_218 : memref<256x128xf32, #tpu.memory_space<hbm>>) target_semaphore(%arg11 : memref<!tpu.dma_semaphore, #tpu.memory_space<semaphore_mem>>)
    %add3A_219 = arith.constant 256 : i32
    %add3A_220 = arith.addi %mul3A_2, %add3A_219 : i32
    %dma_start3A_221 = arith.constant 0 : i32
    %dma_start3A_222 = tpu.memref_slice %arg6[%add3A_220, %dma_start3A_221] : memref<16384x128xf32, #tpu.memory_space<hbm>> -> memref<256x128xf32, #tpu.memory_space<hbm>>
    %dma_start3A_223 = arith.constant 0 : i32
    %dma_start3A_224 = tpu.memref_slice %arg6[%add3A_220, %dma_start3A_223] : memref<16384x128xf32, #tpu.memory_space<hbm>> -> memref<256x128xf32, #tpu.memory_space<hbm>>
    tpu.enqueue_dma source(%arg8 : memref<256x128xf32, #tpu.memory_space<vmem>>) target(%dma_start3A_224 : memref<256x128xf32, #tpu.memory_space<hbm>>) target_semaphore(%arg11 : memref<!tpu.dma_semaphore, #tpu.memory_space<semaphore_mem>>)
    %dma_wait3A_225 = arith.constant 0 : i32
    %dma_wait3A_226 = tpu.memref_slice %arg5[%add3A_214, %dma_wait3A_225] : memref<16384x128xf32, #tpu.memory_space<hbm>> -> memref<256x128xf32, #tpu.memory_space<hbm>>
    %dma_wait3A_227 = arith.constant 0 : i32
    %dma_wait3A_228 = tpu.memref_slice %arg5[%add3A_214, %dma_wait3A_227] : memref<16384x128xf32, #tpu.memory_space<hbm>> -> memref<256x128xf32, #tpu.memory_space<hbm>>
    tpu.wait_dma2 semaphore(%arg11 : memref<!tpu.dma_semaphore, #tpu.memory_space<semaphore_mem>>) src(%arg7 : memref<256x128xf32, #tpu.memory_space<vmem>>) dst(%dma_wait3A_228 : memref<256x128xf32, #tpu.memory_space<hbm>>)
    %dma_wait3A_229 = arith.constant 0 : i32
    %dma_wait3A_230 = tpu.memref_slice %arg6[%add3A_220, %dma_wait3A_229] : memref<16384x128xf32, #tpu.memory_space<hbm>> -> memref<256x128xf32, #tpu.memory_space<hbm>>
    %dma_wait3A_231 = arith.constant 0 : i32
    %dma_wait3A_232 = tpu.memref_slice %arg6[%add3A_220, %dma_wait3A_231] : memref<16384x128xf32, #tpu.memory_space<hbm>> -> memref<256x128xf32, #tpu.memory_space<hbm>>
    tpu.wait_dma2 semaphore(%arg11 : memref<!tpu.dma_semaphore, #tpu.memory_space<semaphore_mem>>) src(%arg8 : memref<256x128xf32, #tpu.memory_space<vmem>>) dst(%dma_wait3A_232 : memref<256x128xf32, #tpu.memory_space<hbm>>)
    return
  }
}

#map = affine_map<(d0, d1) -> (0, 0)>
#map1 = affine_map<(d0, d1) -> (0, 0, 0)>
module attributes {stable_mosaic.version = 14 : i64} {
  func.func @sc_scatter(%arg0: i32, %arg1: i32, %arg2: memref<16384x128xf32, #tpu.memory_space<hbm>>, %arg3: memref<32x4x128xi32, #tpu.memory_space<hbm>>, %arg4: memref<32x4x128xi32, #tpu.memory_space<hbm>>, %arg5: memref<49160x128xf32, #tpu.memory_space<hbm>>, %arg6: memref<512x128xf32, #tpu.memory_space<vmem>>, %arg7: memref<4x128xi32, #tpu.memory_space<vmem>>, %arg8: memref<4x128xi32, #tpu.memory_space<vmem>>, %arg9: memref<!tpu.dma_semaphore, #tpu.memory_space<semaphore_mem>>, %arg10: memref<!tpu.dma_semaphore, #tpu.memory_space<semaphore_mem>>) attributes {dimension_semantics = [#tpu.dimension_semantics<core_parallel>, #tpu.dimension_semantics<subcore_parallel>], iteration_bounds = array<i64: 2, 16>, scalar_prefetch = 0 : i64, scratch_operands = 5 : i64, tpu.core_type = #tpu.core_type<sc_vector_subcore>, window_params = [{transform_indices = #map}, {transform_indices = #map1}, {transform_indices = #map1}, {transform_indices = #map}]} {
    %mul3A = arith.constant 2 : i32
    %mul3A_0 = arith.muli %arg1, %mul3A : i32
    %add3A = arith.addi %mul3A_0, %arg0 : i32
    %mul3A_1 = arith.constant 512 : i32
    %mul3A_2 = arith.muli %add3A, %mul3A_1 : i32
    %dma_start3A = arith.constant 0 : i32
    %dma_start3A_3 = tpu.memref_slice %arg2[%mul3A_2, %dma_start3A] : memref<16384x128xf32, #tpu.memory_space<hbm>> -> memref<512x128xf32, #tpu.memory_space<hbm>>
    %dma_start3A_4 = arith.constant 0 : i32
    %dma_start3A_5 = tpu.memref_slice %arg2[%mul3A_2, %dma_start3A_4] : memref<16384x128xf32, #tpu.memory_space<hbm>> -> memref<512x128xf32, #tpu.memory_space<hbm>>
    tpu.enqueue_dma source(%dma_start3A_5 : memref<512x128xf32, #tpu.memory_space<hbm>>) target(%arg6 : memref<512x128xf32, #tpu.memory_space<vmem>>) target_semaphore(%arg9 : memref<!tpu.dma_semaphore, #tpu.memory_space<semaphore_mem>>)
    %dma_start3A_6 = arith.constant 0 : i32
    %dma_start3A_7 = arith.constant 0 : i32
    %dma_start3A_8 = tpu.memref_slice %arg3[%add3A, %dma_start3A_6, %dma_start3A_7] : memref<32x4x128xi32, #tpu.memory_space<hbm>> -> memref<1x4x128xi32, #tpu.memory_space<hbm>>
    %dma_start3A_9 = tpu.memref_squeeze %dma_start3A_8 : memref<1x4x128xi32, #tpu.memory_space<hbm>> -> memref<4x128xi32, #tpu.memory_space<hbm>>
    %dma_start3A_10 = arith.constant 0 : i32
    %dma_start3A_11 = arith.constant 0 : i32
    %dma_start3A_12 = tpu.memref_slice %arg3[%add3A, %dma_start3A_10, %dma_start3A_11] : memref<32x4x128xi32, #tpu.memory_space<hbm>> -> memref<1x4x128xi32, #tpu.memory_space<hbm>>
    %dma_start3A_13 = tpu.memref_squeeze %dma_start3A_12 : memref<1x4x128xi32, #tpu.memory_space<hbm>> -> memref<4x128xi32, #tpu.memory_space<hbm>>
    tpu.enqueue_dma source(%dma_start3A_13 : memref<4x128xi32, #tpu.memory_space<hbm>>) target(%arg7 : memref<4x128xi32, #tpu.memory_space<vmem>>) target_semaphore(%arg9 : memref<!tpu.dma_semaphore, #tpu.memory_space<semaphore_mem>>)
    %dma_start3A_14 = arith.constant 0 : i32
    %dma_start3A_15 = arith.constant 0 : i32
    %dma_start3A_16 = tpu.memref_slice %arg4[%add3A, %dma_start3A_14, %dma_start3A_15] : memref<32x4x128xi32, #tpu.memory_space<hbm>> -> memref<1x4x128xi32, #tpu.memory_space<hbm>>
    %dma_start3A_17 = tpu.memref_squeeze %dma_start3A_16 : memref<1x4x128xi32, #tpu.memory_space<hbm>> -> memref<4x128xi32, #tpu.memory_space<hbm>>
    %dma_start3A_18 = arith.constant 0 : i32
    %dma_start3A_19 = arith.constant 0 : i32
    %dma_start3A_20 = tpu.memref_slice %arg4[%add3A, %dma_start3A_18, %dma_start3A_19] : memref<32x4x128xi32, #tpu.memory_space<hbm>> -> memref<1x4x128xi32, #tpu.memory_space<hbm>>
    %dma_start3A_21 = tpu.memref_squeeze %dma_start3A_20 : memref<1x4x128xi32, #tpu.memory_space<hbm>> -> memref<4x128xi32, #tpu.memory_space<hbm>>
    tpu.enqueue_dma source(%dma_start3A_21 : memref<4x128xi32, #tpu.memory_space<hbm>>) target(%arg8 : memref<4x128xi32, #tpu.memory_space<vmem>>) target_semaphore(%arg9 : memref<!tpu.dma_semaphore, #tpu.memory_space<semaphore_mem>>)
    %dma_wait3A = arith.constant 0 : i32
    %dma_wait3A_22 = tpu.memref_slice %arg2[%mul3A_2, %dma_wait3A] : memref<16384x128xf32, #tpu.memory_space<hbm>> -> memref<512x128xf32, #tpu.memory_space<hbm>>
    %dma_wait3A_23 = arith.constant 0 : i32
    %dma_wait3A_24 = tpu.memref_slice %arg2[%mul3A_2, %dma_wait3A_23] : memref<16384x128xf32, #tpu.memory_space<hbm>> -> memref<512x128xf32, #tpu.memory_space<hbm>>
    tpu.wait_dma2 semaphore(%arg9 : memref<!tpu.dma_semaphore, #tpu.memory_space<semaphore_mem>>) src(%dma_wait3A_24 : memref<512x128xf32, #tpu.memory_space<hbm>>) dst(%arg6 : memref<512x128xf32, #tpu.memory_space<vmem>>)
    %dma_wait3A_25 = arith.constant 0 : i32
    %dma_wait3A_26 = arith.constant 0 : i32
    %dma_wait3A_27 = tpu.memref_slice %arg3[%add3A, %dma_wait3A_25, %dma_wait3A_26] : memref<32x4x128xi32, #tpu.memory_space<hbm>> -> memref<1x4x128xi32, #tpu.memory_space<hbm>>
    %dma_wait3A_28 = tpu.memref_squeeze %dma_wait3A_27 : memref<1x4x128xi32, #tpu.memory_space<hbm>> -> memref<4x128xi32, #tpu.memory_space<hbm>>
    %dma_wait3A_29 = arith.constant 0 : i32
    %dma_wait3A_30 = arith.constant 0 : i32
    %dma_wait3A_31 = tpu.memref_slice %arg3[%add3A, %dma_wait3A_29, %dma_wait3A_30] : memref<32x4x128xi32, #tpu.memory_space<hbm>> -> memref<1x4x128xi32, #tpu.memory_space<hbm>>
    %dma_wait3A_32 = tpu.memref_squeeze %dma_wait3A_31 : memref<1x4x128xi32, #tpu.memory_space<hbm>> -> memref<4x128xi32, #tpu.memory_space<hbm>>
    tpu.wait_dma2 semaphore(%arg9 : memref<!tpu.dma_semaphore, #tpu.memory_space<semaphore_mem>>) src(%dma_wait3A_32 : memref<4x128xi32, #tpu.memory_space<hbm>>) dst(%arg7 : memref<4x128xi32, #tpu.memory_space<vmem>>)
    %dma_wait3A_33 = arith.constant 0 : i32
    %dma_wait3A_34 = arith.constant 0 : i32
    %dma_wait3A_35 = tpu.memref_slice %arg4[%add3A, %dma_wait3A_33, %dma_wait3A_34] : memref<32x4x128xi32, #tpu.memory_space<hbm>> -> memref<1x4x128xi32, #tpu.memory_space<hbm>>
    %dma_wait3A_36 = tpu.memref_squeeze %dma_wait3A_35 : memref<1x4x128xi32, #tpu.memory_space<hbm>> -> memref<4x128xi32, #tpu.memory_space<hbm>>
    %dma_wait3A_37 = arith.constant 0 : i32
    %dma_wait3A_38 = arith.constant 0 : i32
    %dma_wait3A_39 = tpu.memref_slice %arg4[%add3A, %dma_wait3A_37, %dma_wait3A_38] : memref<32x4x128xi32, #tpu.memory_space<hbm>> -> memref<1x4x128xi32, #tpu.memory_space<hbm>>
    %dma_wait3A_40 = tpu.memref_squeeze %dma_wait3A_39 : memref<1x4x128xi32, #tpu.memory_space<hbm>> -> memref<4x128xi32, #tpu.memory_space<hbm>>
    tpu.wait_dma2 semaphore(%arg9 : memref<!tpu.dma_semaphore, #tpu.memory_space<semaphore_mem>>) src(%dma_wait3A_40 : memref<4x128xi32, #tpu.memory_space<hbm>>) dst(%arg8 : memref<4x128xi32, #tpu.memory_space<vmem>>)
    %dma_start3A_41 = arith.constant 0 : i32
    %dma_start3A_42 = arith.constant 0 : i32
    %dma_start3A_43 = arith.constant 0 : i32
    %dma_start3A_44 = tpu.memref_slice %arg6[%dma_start3A_42, %dma_start3A_43] : memref<512x128xf32, #tpu.memory_space<vmem>> -> memref<128x128xf32, #tpu.memory_space<vmem>>
    %dma_start3A_45 = arith.constant 0 : i32
    %dma_start3A_46 = tpu.memref_slice %arg7[%dma_start3A_41, %dma_start3A_45] : memref<4x128xi32, #tpu.memory_space<vmem>> -> memref<1x128xi32, #tpu.memory_space<vmem>>
    %dma_start3A_47 = tpu.memref_squeeze %dma_start3A_46 : memref<1x128xi32, #tpu.memory_space<vmem>> -> memref<128xi32, #tpu.memory_space<vmem>>
    %dma_start3A_48 = arith.constant 0 : i32
    %dma_start3A_49 = arith.constant 0 : i32
    %dma_start3A_50 = tpu.memref_slice %arg5[%dma_start3A_48, %dma_start3A_49] : memref<49160x128xf32, #tpu.memory_space<hbm>> -> memref<49160x128xf32, #tpu.memory_space<hbm>>
    tpu.enqueue_indirect_dma source(%dma_start3A_44 : memref<128x128xf32, #tpu.memory_space<vmem>>) target(%dma_start3A_50 : memref<49160x128xf32, #tpu.memory_space<hbm>>) offsets(%dma_start3A_47 : memref<128xi32, #tpu.memory_space<vmem>>) semaphore(%arg10 : memref<!tpu.dma_semaphore, #tpu.memory_space<semaphore_mem>>)
    %dma_start3A_51 = arith.constant 0 : i32
    %dma_start3A_52 = arith.constant 0 : i32
    %dma_start3A_53 = arith.constant 0 : i32
    %dma_start3A_54 = tpu.memref_slice %arg6[%dma_start3A_52, %dma_start3A_53] : memref<512x128xf32, #tpu.memory_space<vmem>> -> memref<128x128xf32, #tpu.memory_space<vmem>>
    %dma_start3A_55 = arith.constant 0 : i32
    %dma_start3A_56 = tpu.memref_slice %arg8[%dma_start3A_51, %dma_start3A_55] : memref<4x128xi32, #tpu.memory_space<vmem>> -> memref<1x128xi32, #tpu.memory_space<vmem>>
    %dma_start3A_57 = tpu.memref_squeeze %dma_start3A_56 : memref<1x128xi32, #tpu.memory_space<vmem>> -> memref<128xi32, #tpu.memory_space<vmem>>
    %dma_start3A_58 = arith.constant 0 : i32
    %dma_start3A_59 = arith.constant 0 : i32
    %dma_start3A_60 = tpu.memref_slice %arg5[%dma_start3A_58, %dma_start3A_59] : memref<49160x128xf32, #tpu.memory_space<hbm>> -> memref<49160x128xf32, #tpu.memory_space<hbm>>
    tpu.enqueue_indirect_dma source(%dma_start3A_54 : memref<128x128xf32, #tpu.memory_space<vmem>>) target(%dma_start3A_60 : memref<49160x128xf32, #tpu.memory_space<hbm>>) offsets(%dma_start3A_57 : memref<128xi32, #tpu.memory_space<vmem>>) semaphore(%arg10 : memref<!tpu.dma_semaphore, #tpu.memory_space<semaphore_mem>>)
    %dma_start3A_61 = arith.constant 1 : i32
    %dma_start3A_62 = arith.constant 128 : i32
    %dma_start3A_63 = arith.constant 0 : i32
    %dma_start3A_64 = tpu.memref_slice %arg6[%dma_start3A_62, %dma_start3A_63] : memref<512x128xf32, #tpu.memory_space<vmem>> -> memref<128x128xf32, #tpu.memory_space<vmem>>
    %dma_start3A_65 = arith.constant 0 : i32
    %dma_start3A_66 = tpu.memref_slice %arg7[%dma_start3A_61, %dma_start3A_65] : memref<4x128xi32, #tpu.memory_space<vmem>> -> memref<1x128xi32, #tpu.memory_space<vmem>>
    %dma_start3A_67 = tpu.memref_squeeze %dma_start3A_66 : memref<1x128xi32, #tpu.memory_space<vmem>> -> memref<128xi32, #tpu.memory_space<vmem>>
    %dma_start3A_68 = arith.constant 0 : i32
    %dma_start3A_69 = arith.constant 0 : i32
    %dma_start3A_70 = tpu.memref_slice %arg5[%dma_start3A_68, %dma_start3A_69] : memref<49160x128xf32, #tpu.memory_space<hbm>> -> memref<49160x128xf32, #tpu.memory_space<hbm>>
    tpu.enqueue_indirect_dma source(%dma_start3A_64 : memref<128x128xf32, #tpu.memory_space<vmem>>) target(%dma_start3A_70 : memref<49160x128xf32, #tpu.memory_space<hbm>>) offsets(%dma_start3A_67 : memref<128xi32, #tpu.memory_space<vmem>>) semaphore(%arg10 : memref<!tpu.dma_semaphore, #tpu.memory_space<semaphore_mem>>)
    %dma_start3A_71 = arith.constant 1 : i32
    %dma_start3A_72 = arith.constant 128 : i32
    %dma_start3A_73 = arith.constant 0 : i32
    %dma_start3A_74 = tpu.memref_slice %arg6[%dma_start3A_72, %dma_start3A_73] : memref<512x128xf32, #tpu.memory_space<vmem>> -> memref<128x128xf32, #tpu.memory_space<vmem>>
    %dma_start3A_75 = arith.constant 0 : i32
    %dma_start3A_76 = tpu.memref_slice %arg8[%dma_start3A_71, %dma_start3A_75] : memref<4x128xi32, #tpu.memory_space<vmem>> -> memref<1x128xi32, #tpu.memory_space<vmem>>
    %dma_start3A_77 = tpu.memref_squeeze %dma_start3A_76 : memref<1x128xi32, #tpu.memory_space<vmem>> -> memref<128xi32, #tpu.memory_space<vmem>>
    %dma_start3A_78 = arith.constant 0 : i32
    %dma_start3A_79 = arith.constant 0 : i32
    %dma_start3A_80 = tpu.memref_slice %arg5[%dma_start3A_78, %dma_start3A_79] : memref<49160x128xf32, #tpu.memory_space<hbm>> -> memref<49160x128xf32, #tpu.memory_space<hbm>>
    tpu.enqueue_indirect_dma source(%dma_start3A_74 : memref<128x128xf32, #tpu.memory_space<vmem>>) target(%dma_start3A_80 : memref<49160x128xf32, #tpu.memory_space<hbm>>) offsets(%dma_start3A_77 : memref<128xi32, #tpu.memory_space<vmem>>) semaphore(%arg10 : memref<!tpu.dma_semaphore, #tpu.memory_space<semaphore_mem>>)
    %dma_start3A_81 = arith.constant 2 : i32
    %dma_start3A_82 = arith.constant 256 : i32
    %dma_start3A_83 = arith.constant 0 : i32
    %dma_start3A_84 = tpu.memref_slice %arg6[%dma_start3A_82, %dma_start3A_83] : memref<512x128xf32, #tpu.memory_space<vmem>> -> memref<128x128xf32, #tpu.memory_space<vmem>>
    %dma_start3A_85 = arith.constant 0 : i32
    %dma_start3A_86 = tpu.memref_slice %arg7[%dma_start3A_81, %dma_start3A_85] : memref<4x128xi32, #tpu.memory_space<vmem>> -> memref<1x128xi32, #tpu.memory_space<vmem>>
    %dma_start3A_87 = tpu.memref_squeeze %dma_start3A_86 : memref<1x128xi32, #tpu.memory_space<vmem>> -> memref<128xi32, #tpu.memory_space<vmem>>
    %dma_start3A_88 = arith.constant 0 : i32
    %dma_start3A_89 = arith.constant 0 : i32
    %dma_start3A_90 = tpu.memref_slice %arg5[%dma_start3A_88, %dma_start3A_89] : memref<49160x128xf32, #tpu.memory_space<hbm>> -> memref<49160x128xf32, #tpu.memory_space<hbm>>
    tpu.enqueue_indirect_dma source(%dma_start3A_84 : memref<128x128xf32, #tpu.memory_space<vmem>>) target(%dma_start3A_90 : memref<49160x128xf32, #tpu.memory_space<hbm>>) offsets(%dma_start3A_87 : memref<128xi32, #tpu.memory_space<vmem>>) semaphore(%arg10 : memref<!tpu.dma_semaphore, #tpu.memory_space<semaphore_mem>>)
    %dma_start3A_91 = arith.constant 2 : i32
    %dma_start3A_92 = arith.constant 256 : i32
    %dma_start3A_93 = arith.constant 0 : i32
    %dma_start3A_94 = tpu.memref_slice %arg6[%dma_start3A_92, %dma_start3A_93] : memref<512x128xf32, #tpu.memory_space<vmem>> -> memref<128x128xf32, #tpu.memory_space<vmem>>
    %dma_start3A_95 = arith.constant 0 : i32
    %dma_start3A_96 = tpu.memref_slice %arg8[%dma_start3A_91, %dma_start3A_95] : memref<4x128xi32, #tpu.memory_space<vmem>> -> memref<1x128xi32, #tpu.memory_space<vmem>>
    %dma_start3A_97 = tpu.memref_squeeze %dma_start3A_96 : memref<1x128xi32, #tpu.memory_space<vmem>> -> memref<128xi32, #tpu.memory_space<vmem>>
    %dma_start3A_98 = arith.constant 0 : i32
    %dma_start3A_99 = arith.constant 0 : i32
    %dma_start3A_100 = tpu.memref_slice %arg5[%dma_start3A_98, %dma_start3A_99] : memref<49160x128xf32, #tpu.memory_space<hbm>> -> memref<49160x128xf32, #tpu.memory_space<hbm>>
    tpu.enqueue_indirect_dma source(%dma_start3A_94 : memref<128x128xf32, #tpu.memory_space<vmem>>) target(%dma_start3A_100 : memref<49160x128xf32, #tpu.memory_space<hbm>>) offsets(%dma_start3A_97 : memref<128xi32, #tpu.memory_space<vmem>>) semaphore(%arg10 : memref<!tpu.dma_semaphore, #tpu.memory_space<semaphore_mem>>)
    %dma_start3A_101 = arith.constant 3 : i32
    %dma_start3A_102 = arith.constant 384 : i32
    %dma_start3A_103 = arith.constant 0 : i32
    %dma_start3A_104 = tpu.memref_slice %arg6[%dma_start3A_102, %dma_start3A_103] : memref<512x128xf32, #tpu.memory_space<vmem>> -> memref<128x128xf32, #tpu.memory_space<vmem>>
    %dma_start3A_105 = arith.constant 0 : i32
    %dma_start3A_106 = tpu.memref_slice %arg7[%dma_start3A_101, %dma_start3A_105] : memref<4x128xi32, #tpu.memory_space<vmem>> -> memref<1x128xi32, #tpu.memory_space<vmem>>
    %dma_start3A_107 = tpu.memref_squeeze %dma_start3A_106 : memref<1x128xi32, #tpu.memory_space<vmem>> -> memref<128xi32, #tpu.memory_space<vmem>>
    %dma_start3A_108 = arith.constant 0 : i32
    %dma_start3A_109 = arith.constant 0 : i32
    %dma_start3A_110 = tpu.memref_slice %arg5[%dma_start3A_108, %dma_start3A_109] : memref<49160x128xf32, #tpu.memory_space<hbm>> -> memref<49160x128xf32, #tpu.memory_space<hbm>>
    tpu.enqueue_indirect_dma source(%dma_start3A_104 : memref<128x128xf32, #tpu.memory_space<vmem>>) target(%dma_start3A_110 : memref<49160x128xf32, #tpu.memory_space<hbm>>) offsets(%dma_start3A_107 : memref<128xi32, #tpu.memory_space<vmem>>) semaphore(%arg10 : memref<!tpu.dma_semaphore, #tpu.memory_space<semaphore_mem>>)
    %dma_start3A_111 = arith.constant 3 : i32
    %dma_start3A_112 = arith.constant 384 : i32
    %dma_start3A_113 = arith.constant 0 : i32
    %dma_start3A_114 = tpu.memref_slice %arg6[%dma_start3A_112, %dma_start3A_113] : memref<512x128xf32, #tpu.memory_space<vmem>> -> memref<128x128xf32, #tpu.memory_space<vmem>>
    %dma_start3A_115 = arith.constant 0 : i32
    %dma_start3A_116 = tpu.memref_slice %arg8[%dma_start3A_111, %dma_start3A_115] : memref<4x128xi32, #tpu.memory_space<vmem>> -> memref<1x128xi32, #tpu.memory_space<vmem>>
    %dma_start3A_117 = tpu.memref_squeeze %dma_start3A_116 : memref<1x128xi32, #tpu.memory_space<vmem>> -> memref<128xi32, #tpu.memory_space<vmem>>
    %dma_start3A_118 = arith.constant 0 : i32
    %dma_start3A_119 = arith.constant 0 : i32
    %dma_start3A_120 = tpu.memref_slice %arg5[%dma_start3A_118, %dma_start3A_119] : memref<49160x128xf32, #tpu.memory_space<hbm>> -> memref<49160x128xf32, #tpu.memory_space<hbm>>
    tpu.enqueue_indirect_dma source(%dma_start3A_114 : memref<128x128xf32, #tpu.memory_space<vmem>>) target(%dma_start3A_120 : memref<49160x128xf32, #tpu.memory_space<hbm>>) offsets(%dma_start3A_117 : memref<128xi32, #tpu.memory_space<vmem>>) semaphore(%arg10 : memref<!tpu.dma_semaphore, #tpu.memory_space<semaphore_mem>>)
    %dma_wait3A_121 = arith.constant 0 : i32
    %dma_wait3A_122 = arith.constant 0 : i32
    %dma_wait3A_123 = arith.constant 0 : i32
    %dma_wait3A_124 = tpu.memref_slice %arg6[%dma_wait3A_122, %dma_wait3A_123] : memref<512x128xf32, #tpu.memory_space<vmem>> -> memref<128x128xf32, #tpu.memory_space<vmem>>
    %dma_wait3A_125 = arith.constant 0 : i32
    %dma_wait3A_126 = tpu.memref_slice %arg7[%dma_wait3A_121, %dma_wait3A_125] : memref<4x128xi32, #tpu.memory_space<vmem>> -> memref<1x128xi32, #tpu.memory_space<vmem>>
    %dma_wait3A_127 = tpu.memref_squeeze %dma_wait3A_126 : memref<1x128xi32, #tpu.memory_space<vmem>> -> memref<128xi32, #tpu.memory_space<vmem>>
    %dma_wait3A_128 = arith.constant 0 : i32
    %dma_wait3A_129 = arith.constant 0 : i32
    %dma_wait3A_130 = tpu.memref_slice %arg5[%dma_wait3A_128, %dma_wait3A_129] : memref<49160x128xf32, #tpu.memory_space<hbm>> -> memref<49160x128xf32, #tpu.memory_space<hbm>>
    tpu.wait_indirect_dma semaphore(%arg10 : memref<!tpu.dma_semaphore, #tpu.memory_space<semaphore_mem>>) src(%dma_wait3A_124 : memref<128x128xf32, #tpu.memory_space<vmem>>) dst(%dma_wait3A_130 : memref<49160x128xf32, #tpu.memory_space<hbm>>)
    %dma_wait3A_131 = arith.constant 0 : i32
    %dma_wait3A_132 = arith.constant 0 : i32
    %dma_wait3A_133 = arith.constant 0 : i32
    %dma_wait3A_134 = tpu.memref_slice %arg6[%dma_wait3A_132, %dma_wait3A_133] : memref<512x128xf32, #tpu.memory_space<vmem>> -> memref<128x128xf32, #tpu.memory_space<vmem>>
    %dma_wait3A_135 = arith.constant 0 : i32
    %dma_wait3A_136 = tpu.memref_slice %arg8[%dma_wait3A_131, %dma_wait3A_135] : memref<4x128xi32, #tpu.memory_space<vmem>> -> memref<1x128xi32, #tpu.memory_space<vmem>>
    %dma_wait3A_137 = tpu.memref_squeeze %dma_wait3A_136 : memref<1x128xi32, #tpu.memory_space<vmem>> -> memref<128xi32, #tpu.memory_space<vmem>>
    %dma_wait3A_138 = arith.constant 0 : i32
    %dma_wait3A_139 = arith.constant 0 : i32
    %dma_wait3A_140 = tpu.memref_slice %arg5[%dma_wait3A_138, %dma_wait3A_139] : memref<49160x128xf32, #tpu.memory_space<hbm>> -> memref<49160x128xf32, #tpu.memory_space<hbm>>
    tpu.wait_indirect_dma semaphore(%arg10 : memref<!tpu.dma_semaphore, #tpu.memory_space<semaphore_mem>>) src(%dma_wait3A_134 : memref<128x128xf32, #tpu.memory_space<vmem>>) dst(%dma_wait3A_140 : memref<49160x128xf32, #tpu.memory_space<hbm>>)
    %dma_wait3A_141 = arith.constant 1 : i32
    %dma_wait3A_142 = arith.constant 128 : i32
    %dma_wait3A_143 = arith.constant 0 : i32
    %dma_wait3A_144 = tpu.memref_slice %arg6[%dma_wait3A_142, %dma_wait3A_143] : memref<512x128xf32, #tpu.memory_space<vmem>> -> memref<128x128xf32, #tpu.memory_space<vmem>>
    %dma_wait3A_145 = arith.constant 0 : i32
    %dma_wait3A_146 = tpu.memref_slice %arg7[%dma_wait3A_141, %dma_wait3A_145] : memref<4x128xi32, #tpu.memory_space<vmem>> -> memref<1x128xi32, #tpu.memory_space<vmem>>
    %dma_wait3A_147 = tpu.memref_squeeze %dma_wait3A_146 : memref<1x128xi32, #tpu.memory_space<vmem>> -> memref<128xi32, #tpu.memory_space<vmem>>
    %dma_wait3A_148 = arith.constant 0 : i32
    %dma_wait3A_149 = arith.constant 0 : i32
    %dma_wait3A_150 = tpu.memref_slice %arg5[%dma_wait3A_148, %dma_wait3A_149] : memref<49160x128xf32, #tpu.memory_space<hbm>> -> memref<49160x128xf32, #tpu.memory_space<hbm>>
    tpu.wait_indirect_dma semaphore(%arg10 : memref<!tpu.dma_semaphore, #tpu.memory_space<semaphore_mem>>) src(%dma_wait3A_144 : memref<128x128xf32, #tpu.memory_space<vmem>>) dst(%dma_wait3A_150 : memref<49160x128xf32, #tpu.memory_space<hbm>>)
    %dma_wait3A_151 = arith.constant 1 : i32
    %dma_wait3A_152 = arith.constant 128 : i32
    %dma_wait3A_153 = arith.constant 0 : i32
    %dma_wait3A_154 = tpu.memref_slice %arg6[%dma_wait3A_152, %dma_wait3A_153] : memref<512x128xf32, #tpu.memory_space<vmem>> -> memref<128x128xf32, #tpu.memory_space<vmem>>
    %dma_wait3A_155 = arith.constant 0 : i32
    %dma_wait3A_156 = tpu.memref_slice %arg8[%dma_wait3A_151, %dma_wait3A_155] : memref<4x128xi32, #tpu.memory_space<vmem>> -> memref<1x128xi32, #tpu.memory_space<vmem>>
    %dma_wait3A_157 = tpu.memref_squeeze %dma_wait3A_156 : memref<1x128xi32, #tpu.memory_space<vmem>> -> memref<128xi32, #tpu.memory_space<vmem>>
    %dma_wait3A_158 = arith.constant 0 : i32
    %dma_wait3A_159 = arith.constant 0 : i32
    %dma_wait3A_160 = tpu.memref_slice %arg5[%dma_wait3A_158, %dma_wait3A_159] : memref<49160x128xf32, #tpu.memory_space<hbm>> -> memref<49160x128xf32, #tpu.memory_space<hbm>>
    tpu.wait_indirect_dma semaphore(%arg10 : memref<!tpu.dma_semaphore, #tpu.memory_space<semaphore_mem>>) src(%dma_wait3A_154 : memref<128x128xf32, #tpu.memory_space<vmem>>) dst(%dma_wait3A_160 : memref<49160x128xf32, #tpu.memory_space<hbm>>)
    %dma_wait3A_161 = arith.constant 2 : i32
    %dma_wait3A_162 = arith.constant 256 : i32
    %dma_wait3A_163 = arith.constant 0 : i32
    %dma_wait3A_164 = tpu.memref_slice %arg6[%dma_wait3A_162, %dma_wait3A_163] : memref<512x128xf32, #tpu.memory_space<vmem>> -> memref<128x128xf32, #tpu.memory_space<vmem>>
    %dma_wait3A_165 = arith.constant 0 : i32
    %dma_wait3A_166 = tpu.memref_slice %arg7[%dma_wait3A_161, %dma_wait3A_165] : memref<4x128xi32, #tpu.memory_space<vmem>> -> memref<1x128xi32, #tpu.memory_space<vmem>>
    %dma_wait3A_167 = tpu.memref_squeeze %dma_wait3A_166 : memref<1x128xi32, #tpu.memory_space<vmem>> -> memref<128xi32, #tpu.memory_space<vmem>>
    %dma_wait3A_168 = arith.constant 0 : i32
    %dma_wait3A_169 = arith.constant 0 : i32
    %dma_wait3A_170 = tpu.memref_slice %arg5[%dma_wait3A_168, %dma_wait3A_169] : memref<49160x128xf32, #tpu.memory_space<hbm>> -> memref<49160x128xf32, #tpu.memory_space<hbm>>
    tpu.wait_indirect_dma semaphore(%arg10 : memref<!tpu.dma_semaphore, #tpu.memory_space<semaphore_mem>>) src(%dma_wait3A_164 : memref<128x128xf32, #tpu.memory_space<vmem>>) dst(%dma_wait3A_170 : memref<49160x128xf32, #tpu.memory_space<hbm>>)
    %dma_wait3A_171 = arith.constant 2 : i32
    %dma_wait3A_172 = arith.constant 256 : i32
    %dma_wait3A_173 = arith.constant 0 : i32
    %dma_wait3A_174 = tpu.memref_slice %arg6[%dma_wait3A_172, %dma_wait3A_173] : memref<512x128xf32, #tpu.memory_space<vmem>> -> memref<128x128xf32, #tpu.memory_space<vmem>>
    %dma_wait3A_175 = arith.constant 0 : i32
    %dma_wait3A_176 = tpu.memref_slice %arg8[%dma_wait3A_171, %dma_wait3A_175] : memref<4x128xi32, #tpu.memory_space<vmem>> -> memref<1x128xi32, #tpu.memory_space<vmem>>
    %dma_wait3A_177 = tpu.memref_squeeze %dma_wait3A_176 : memref<1x128xi32, #tpu.memory_space<vmem>> -> memref<128xi32, #tpu.memory_space<vmem>>
    %dma_wait3A_178 = arith.constant 0 : i32
    %dma_wait3A_179 = arith.constant 0 : i32
    %dma_wait3A_180 = tpu.memref_slice %arg5[%dma_wait3A_178, %dma_wait3A_179] : memref<49160x128xf32, #tpu.memory_space<hbm>> -> memref<49160x128xf32, #tpu.memory_space<hbm>>
    tpu.wait_indirect_dma semaphore(%arg10 : memref<!tpu.dma_semaphore, #tpu.memory_space<semaphore_mem>>) src(%dma_wait3A_174 : memref<128x128xf32, #tpu.memory_space<vmem>>) dst(%dma_wait3A_180 : memref<49160x128xf32, #tpu.memory_space<hbm>>)
    %dma_wait3A_181 = arith.constant 3 : i32
    %dma_wait3A_182 = arith.constant 384 : i32
    %dma_wait3A_183 = arith.constant 0 : i32
    %dma_wait3A_184 = tpu.memref_slice %arg6[%dma_wait3A_182, %dma_wait3A_183] : memref<512x128xf32, #tpu.memory_space<vmem>> -> memref<128x128xf32, #tpu.memory_space<vmem>>
    %dma_wait3A_185 = arith.constant 0 : i32
    %dma_wait3A_186 = tpu.memref_slice %arg7[%dma_wait3A_181, %dma_wait3A_185] : memref<4x128xi32, #tpu.memory_space<vmem>> -> memref<1x128xi32, #tpu.memory_space<vmem>>
    %dma_wait3A_187 = tpu.memref_squeeze %dma_wait3A_186 : memref<1x128xi32, #tpu.memory_space<vmem>> -> memref<128xi32, #tpu.memory_space<vmem>>
    %dma_wait3A_188 = arith.constant 0 : i32
    %dma_wait3A_189 = arith.constant 0 : i32
    %dma_wait3A_190 = tpu.memref_slice %arg5[%dma_wait3A_188, %dma_wait3A_189] : memref<49160x128xf32, #tpu.memory_space<hbm>> -> memref<49160x128xf32, #tpu.memory_space<hbm>>
    tpu.wait_indirect_dma semaphore(%arg10 : memref<!tpu.dma_semaphore, #tpu.memory_space<semaphore_mem>>) src(%dma_wait3A_184 : memref<128x128xf32, #tpu.memory_space<vmem>>) dst(%dma_wait3A_190 : memref<49160x128xf32, #tpu.memory_space<hbm>>)
    %dma_wait3A_191 = arith.constant 3 : i32
    %dma_wait3A_192 = arith.constant 384 : i32
    %dma_wait3A_193 = arith.constant 0 : i32
    %dma_wait3A_194 = tpu.memref_slice %arg6[%dma_wait3A_192, %dma_wait3A_193] : memref<512x128xf32, #tpu.memory_space<vmem>> -> memref<128x128xf32, #tpu.memory_space<vmem>>
    %dma_wait3A_195 = arith.constant 0 : i32
    %dma_wait3A_196 = tpu.memref_slice %arg8[%dma_wait3A_191, %dma_wait3A_195] : memref<4x128xi32, #tpu.memory_space<vmem>> -> memref<1x128xi32, #tpu.memory_space<vmem>>
    %dma_wait3A_197 = tpu.memref_squeeze %dma_wait3A_196 : memref<1x128xi32, #tpu.memory_space<vmem>> -> memref<128xi32, #tpu.memory_space<vmem>>
    %dma_wait3A_198 = arith.constant 0 : i32
    %dma_wait3A_199 = arith.constant 0 : i32
    %dma_wait3A_200 = tpu.memref_slice %arg5[%dma_wait3A_198, %dma_wait3A_199] : memref<49160x128xf32, #tpu.memory_space<hbm>> -> memref<49160x128xf32, #tpu.memory_space<hbm>>
    tpu.wait_indirect_dma semaphore(%arg10 : memref<!tpu.dma_semaphore, #tpu.memory_space<semaphore_mem>>) src(%dma_wait3A_194 : memref<128x128xf32, #tpu.memory_space<vmem>>) dst(%dma_wait3A_200 : memref<49160x128xf32, #tpu.memory_space<hbm>>)
    return
  }
}

module attributes {stable_mosaic.version = 14 : i64} {
  func.func @_attn_body(%arg0: i32, %arg1: memref<64x32x128xf32, #tpu.memory_space<vmem>>, %arg2: memref<1x128xf32, #tpu.memory_space<vmem>>, %arg3: memref<1x128xf32, #tpu.memory_space<vmem>>, %arg4: memref<128x128xf32, #tpu.memory_space<vmem>>, %arg5: memref<128x128xf32, #tpu.memory_space<vmem>>, %arg6: memref<128x128xf32, #tpu.memory_space<vmem>>, %arg7: memref<128x128xf32, #tpu.memory_space<vmem>>, %arg8: memref<1x128xf32, #tpu.memory_space<vmem>>, %arg9: memref<64x32x128xf32, #tpu.memory_space<vmem>>) attributes {dimension_semantics = [#tpu.dimension_semantics<arbitrary>], iteration_bounds = array<i64: 8>, scalar_prefetch = 0 : i64, scratch_operands = 0 : i64, tpu.core_type = #tpu.core_type<tc>, window_params = [{transform_indices = @transform_0, window_bounds = array<i64: 64, 32, 128>}, {pipeline_mode = #tpu.pipeline_mode<synchronous>, transform_indices = @transform_1, window_bounds = array<i64: 1, 128>}, {pipeline_mode = #tpu.pipeline_mode<synchronous>, transform_indices = @transform_2, window_bounds = array<i64: 1, 128>}, {pipeline_mode = #tpu.pipeline_mode<synchronous>, transform_indices = @transform_3, window_bounds = array<i64: 128, 128>}, {pipeline_mode = #tpu.pipeline_mode<synchronous>, transform_indices = @transform_4, window_bounds = array<i64: 128, 128>}, {pipeline_mode = #tpu.pipeline_mode<synchronous>, transform_indices = @transform_5, window_bounds = array<i64: 128, 128>}, {pipeline_mode = #tpu.pipeline_mode<synchronous>, transform_indices = @transform_6, window_bounds = array<i64: 128, 128>}, {pipeline_mode = #tpu.pipeline_mode<synchronous>, transform_indices = @transform_7, window_bounds = array<i64: 1, 128>}, {transform_indices = @transform_8, window_bounds = array<i64: 64, 32, 128>}]} {
    %get3A = arith.constant 0 : index
    %get3A_0 = arith.constant 0 : index
    %get3A_1 = arith.constant 0 : index
    %get3A_2 = vector.load %arg1[%get3A, %get3A_0, %get3A_1] : memref<64x32x128xf32, #tpu.memory_space<vmem>>, vector<64x32x128xf32>
    %reduce_sum3A = arith.constant dense<0.000000e+00> : vector<64x32xf32>
    %reduce_sum3A_3 = vector.multi_reduction <add>, %get3A_2, %reduce_sum3A [2] : vector<64x32x128xf32> to vector<64x32xf32>
    %broadcast_in_dim3A = vector.shape_cast %reduce_sum3A_3 : vector<64x32xf32> to vector<64x32x1xf32>
    %div3A = arith.constant 1.280000e+02 : f32
    %div3A_4 = vector.broadcast %div3A : f32 to vector<64x32x1xf32>
    %div3A_5 = arith.divf %broadcast_in_dim3A, %div3A_4 : vector<64x32x1xf32>
    %sub3A = vector.broadcast %div3A_5 : vector<64x32x1xf32> to vector<64x32x128xf32>
    %sub3A_6 = arith.subf %get3A_2, %sub3A : vector<64x32x128xf32>
    %integer_pow3A = arith.mulf %sub3A_6, %sub3A_6 : vector<64x32x128xf32>
    %reduce_sum3A_7 = arith.constant dense<0.000000e+00> : vector<64x32xf32>
    %reduce_sum3A_8 = vector.multi_reduction <add>, %integer_pow3A, %reduce_sum3A_7 [2] : vector<64x32x128xf32> to vector<64x32xf32>
    %broadcast_in_dim3A_9 = vector.shape_cast %reduce_sum3A_8 : vector<64x32xf32> to vector<64x32x1xf32>
    %div3A_10 = arith.constant 1.280000e+02 : f32
    %div3A_11 = vector.broadcast %div3A_10 : f32 to vector<64x32x1xf32>
    %div3A_12 = arith.divf %broadcast_in_dim3A_9, %div3A_11 : vector<64x32x1xf32>
    %sub3A_13 = vector.broadcast %div3A_5 : vector<64x32x1xf32> to vector<64x32x128xf32>
    %sub3A_14 = arith.subf %get3A_2, %sub3A_13 : vector<64x32x128xf32>
    %add3A = arith.constant 9.99999974E-6 : f32
    %add3A_15 = vector.broadcast %add3A : f32 to vector<64x32x1xf32>
    %add3A_16 = arith.addf %div3A_12, %add3A_15 : vector<64x32x1xf32>
    %sqrt3A = math.sqrt %add3A_16 : vector<64x32x1xf32>
    %div3A_17 = vector.broadcast %sqrt3A : vector<64x32x1xf32> to vector<64x32x128xf32>
    %div3A_18 = arith.divf %sub3A_14, %div3A_17 : vector<64x32x128xf32>
    %get3A_19 = arith.constant 0 : index
    %get3A_20 = arith.constant 0 : index
    %get3A_21 = vector.load %arg2[%get3A_19, %get3A_20] : memref<1x128xf32, #tpu.memory_space<vmem>>, vector<1x128xf32>
    %broadcast_in_dim3A_22 = vector.shape_cast %get3A_21 : vector<1x128xf32> to vector<1x1x128xf32>
    %mul3A = vector.broadcast %broadcast_in_dim3A_22 : vector<1x1x128xf32> to vector<64x32x128xf32>
    %mul3A_23 = arith.mulf %div3A_18, %mul3A : vector<64x32x128xf32>
    %get3A_24 = arith.constant 0 : index
    %get3A_25 = arith.constant 0 : index
    %get3A_26 = vector.load %arg3[%get3A_24, %get3A_25] : memref<1x128xf32, #tpu.memory_space<vmem>>, vector<1x128xf32>
    %broadcast_in_dim3A_27 = vector.shape_cast %get3A_26 : vector<1x128xf32> to vector<1x1x128xf32>
    %add3A_28 = vector.broadcast %broadcast_in_dim3A_27 : vector<1x1x128xf32> to vector<64x32x128xf32>
    %add3A_29 = arith.addf %mul3A_23, %add3A_28 : vector<64x32x128xf32>
    %reshape3A = vector.shape_cast %add3A_29 : vector<64x32x128xf32> to vector<2048x128xf32>
    %get3A_30 = arith.constant 0 : index
    %get3A_31 = arith.constant 0 : index
    %get3A_32 = vector.load %arg4[%get3A_30, %get3A_31] : memref<128x128xf32, #tpu.memory_space<vmem>>, vector<128x128xf32>
    %dot_general3A = arith.constant dense<0.000000e+00> : vector<2048x128xf32>
    %dot_general3A_33 = tpu.matmul %reshape3A, %get3A_32, %dot_general3A {dimension_numbers = #tpu.dot_dimension_numbers<[1], [0], [0], [1], [0, 0, 1, 1], [], []>, transpose_lhs_hint = false} : vector<2048x128xf32>, vector<128x128xf32>, vector<2048x128xf32> -> vector<2048x128xf32>
    %reshape3A_34 = vector.shape_cast %dot_general3A_33 : vector<2048x128xf32> to vector<64x32x8x16xf32>
    %get3A_35 = arith.constant 0 : index
    %get3A_36 = arith.constant 0 : index
    %get3A_37 = vector.load %arg5[%get3A_35, %get3A_36] : memref<128x128xf32, #tpu.memory_space<vmem>>, vector<128x128xf32>
    %dot_general3A_38 = arith.constant dense<0.000000e+00> : vector<2048x128xf32>
    %dot_general3A_39 = tpu.matmul %reshape3A, %get3A_37, %dot_general3A_38 {dimension_numbers = #tpu.dot_dimension_numbers<[1], [0], [0], [1], [0, 0, 1, 1], [], []>, transpose_lhs_hint = false} : vector<2048x128xf32>, vector<128x128xf32>, vector<2048x128xf32> -> vector<2048x128xf32>
    %reshape3A_40 = vector.shape_cast %dot_general3A_39 : vector<2048x128xf32> to vector<64x32x8x16xf32>
    %get3A_41 = arith.constant 0 : index
    %get3A_42 = arith.constant 0 : index
    %get3A_43 = vector.load %arg6[%get3A_41, %get3A_42] : memref<128x128xf32, #tpu.memory_space<vmem>>, vector<128x128xf32>
    %dot_general3A_44 = arith.constant dense<0.000000e+00> : vector<2048x128xf32>
    %dot_general3A_45 = tpu.matmul %reshape3A, %get3A_43, %dot_general3A_44 {dimension_numbers = #tpu.dot_dimension_numbers<[1], [0], [0], [1], [0, 0, 1, 1], [], []>, transpose_lhs_hint = false} : vector<2048x128xf32>, vector<128x128xf32>, vector<2048x128xf32> -> vector<2048x128xf32>
    %reshape3A_46 = vector.shape_cast %dot_general3A_45 : vector<2048x128xf32> to vector<64x32x8x16xf32>
    %iota3A = tpu.iota {dimensions = array<i32: 0>} : vector<32x32xi32>
    %iota3A_47 = tpu.iota {dimensions = array<i32: 1>} : vector<32x32xi32>
    %ge3A = arith.cmpi sge, %iota3A, %iota3A_47 : vector<32x32xi32>
    %slice3A = vector.extract_strided_slice %reshape3A_34 {offsets = [0, 0, 0, 0], sizes = [64, 32, 1, 16], strides = [1, 1, 1, 1]} : vector<64x32x8x16xf32> to vector<64x32x1x16xf32>
    %squeeze3A = vector.shape_cast %slice3A : vector<64x32x1x16xf32> to vector<64x32x16xf32>
    %slice3A_48 = vector.extract_strided_slice %reshape3A_40 {offsets = [0, 0, 0, 0], sizes = [64, 32, 1, 16], strides = [1, 1, 1, 1]} : vector<64x32x8x16xf32> to vector<64x32x1x16xf32>
    %squeeze3A_49 = vector.shape_cast %slice3A_48 : vector<64x32x1x16xf32> to vector<64x32x16xf32>
    %slice3A_50 = vector.extract_strided_slice %reshape3A_46 {offsets = [0, 0, 0, 0], sizes = [64, 32, 1, 16], strides = [1, 1, 1, 1]} : vector<64x32x8x16xf32> to vector<64x32x1x16xf32>
    %squeeze3A_51 = vector.shape_cast %slice3A_50 : vector<64x32x1x16xf32> to vector<64x32x16xf32>
    %dot_general3A_52 = arith.constant dense<0.000000e+00> : vector<64x32x32xf32>
    %dot_general3A_53 = tpu.matmul %squeeze3A, %squeeze3A_49, %dot_general3A_52 {dimension_numbers = #tpu.dot_dimension_numbers<[2], [2], [1], [1], [0, 0, 0, 1, 1, 1], [0], [0]>, transpose_lhs_hint = false} : vector<64x32x16xf32>, vector<64x32x16xf32>, vector<64x32x32xf32> -> vector<64x32x32xf32>
    %mul3A_54 = arith.constant 0.0883883461 : f32
    %mul3A_55 = vector.broadcast %mul3A_54 : f32 to vector<64x32x32xf32>
    %mul3A_56 = arith.mulf %dot_general3A_53, %mul3A_55 : vector<64x32x32xf32>
    %broadcast_in_dim3A_57 = vector.shape_cast %ge3A : vector<32x32xi1> to vector<1x32x32xi1>
    %jit3A = arith.constant -1.000000e+09 : f32
    %broadcast_in_dim3A_58 = vector.shape_cast %broadcast_in_dim3A_57 : vector<1x32x32xi1> to vector<1x32x32xi1>
    %broadcast_in_dim3A_59 = vector.broadcast %broadcast_in_dim3A_58 : vector<1x32x32xi1> to vector<64x32x32xi1>
    %broadcast_in_dim3A_60 = vector.broadcast %jit3A : f32 to vector<64x32x32xf32>
    %select_n3A = arith.select %broadcast_in_dim3A_59, %mul3A_56, %broadcast_in_dim3A_60 : vector<64x32x32xi1>, vector<64x32x32xf32>
    %reduce_max3A = arith.constant dense<0xFF800000> : vector<64x32xf32>
    %reduce_max3A_61 = vector.multi_reduction <maximumf>, %select_n3A, %reduce_max3A [2] : vector<64x32x32xf32> to vector<64x32xf32>
    %broadcast_in_dim3A_62 = vector.shape_cast %reduce_max3A_61 : vector<64x32xf32> to vector<64x32x1xf32>
    %sub3A_63 = vector.broadcast %broadcast_in_dim3A_62 : vector<64x32x1xf32> to vector<64x32x32xf32>
    %sub3A_64 = arith.subf %select_n3A, %sub3A_63 : vector<64x32x32xf32>
    %exp3A = math.exp %sub3A_64 : vector<64x32x32xf32>
    %reduce_sum3A_65 = arith.constant dense<0.000000e+00> : vector<64x32xf32>
    %reduce_sum3A_66 = vector.multi_reduction <add>, %exp3A, %reduce_sum3A_65 [2] : vector<64x32x32xf32> to vector<64x32xf32>
    %broadcast_in_dim3A_67 = vector.shape_cast %reduce_sum3A_66 : vector<64x32xf32> to vector<64x32x1xf32>
    %div3A_68 = vector.broadcast %broadcast_in_dim3A_67 : vector<64x32x1xf32> to vector<64x32x32xf32>
    %div3A_69 = arith.divf %exp3A, %div3A_68 : vector<64x32x32xf32>
    %dot_general3A_70 = arith.constant dense<0.000000e+00> : vector<64x32x16xf32>
    %dot_general3A_71 = tpu.matmul %div3A_69, %squeeze3A_51, %dot_general3A_70 {dimension_numbers = #tpu.dot_dimension_numbers<[2], [1], [1], [2], [0, 0, 0, 1, 1, 2], [0], [0]>, transpose_lhs_hint = false} : vector<64x32x32xf32>, vector<64x32x16xf32>, vector<64x32x16xf32> -> vector<64x32x16xf32>
    %slice3A_72 = vector.extract_strided_slice %reshape3A_34 {offsets = [0, 0, 1, 0], sizes = [64, 32, 1, 16], strides = [1, 1, 1, 1]} : vector<64x32x8x16xf32> to vector<64x32x1x16xf32>
    %squeeze3A_73 = vector.shape_cast %slice3A_72 : vector<64x32x1x16xf32> to vector<64x32x16xf32>
    %slice3A_74 = vector.extract_strided_slice %reshape3A_40 {offsets = [0, 0, 1, 0], sizes = [64, 32, 1, 16], strides = [1, 1, 1, 1]} : vector<64x32x8x16xf32> to vector<64x32x1x16xf32>
    %squeeze3A_75 = vector.shape_cast %slice3A_74 : vector<64x32x1x16xf32> to vector<64x32x16xf32>
    %slice3A_76 = vector.extract_strided_slice %reshape3A_46 {offsets = [0, 0, 1, 0], sizes = [64, 32, 1, 16], strides = [1, 1, 1, 1]} : vector<64x32x8x16xf32> to vector<64x32x1x16xf32>
    %squeeze3A_77 = vector.shape_cast %slice3A_76 : vector<64x32x1x16xf32> to vector<64x32x16xf32>
    %dot_general3A_78 = arith.constant dense<0.000000e+00> : vector<64x32x32xf32>
    %dot_general3A_79 = tpu.matmul %squeeze3A_73, %squeeze3A_75, %dot_general3A_78 {dimension_numbers = #tpu.dot_dimension_numbers<[2], [2], [1], [1], [0, 0, 0, 1, 1, 1], [0], [0]>, transpose_lhs_hint = false} : vector<64x32x16xf32>, vector<64x32x16xf32>, vector<64x32x32xf32> -> vector<64x32x32xf32>
    %mul3A_80 = arith.constant 0.0883883461 : f32
    %mul3A_81 = vector.broadcast %mul3A_80 : f32 to vector<64x32x32xf32>
    %mul3A_82 = arith.mulf %dot_general3A_79, %mul3A_81 : vector<64x32x32xf32>
    %broadcast_in_dim3A_83 = vector.shape_cast %ge3A : vector<32x32xi1> to vector<1x32x32xi1>
    %jit3A_84 = arith.constant -1.000000e+09 : f32
    %broadcast_in_dim3A_85 = vector.shape_cast %broadcast_in_dim3A_83 : vector<1x32x32xi1> to vector<1x32x32xi1>
    %broadcast_in_dim3A_86 = vector.broadcast %broadcast_in_dim3A_85 : vector<1x32x32xi1> to vector<64x32x32xi1>
    %broadcast_in_dim3A_87 = vector.broadcast %jit3A_84 : f32 to vector<64x32x32xf32>
    %select_n3A_88 = arith.select %broadcast_in_dim3A_86, %mul3A_82, %broadcast_in_dim3A_87 : vector<64x32x32xi1>, vector<64x32x32xf32>
    %reduce_max3A_89 = arith.constant dense<0xFF800000> : vector<64x32xf32>
    %reduce_max3A_90 = vector.multi_reduction <maximumf>, %select_n3A_88, %reduce_max3A_89 [2] : vector<64x32x32xf32> to vector<64x32xf32>
    %broadcast_in_dim3A_91 = vector.shape_cast %reduce_max3A_90 : vector<64x32xf32> to vector<64x32x1xf32>
    %sub3A_92 = vector.broadcast %broadcast_in_dim3A_91 : vector<64x32x1xf32> to vector<64x32x32xf32>
    %sub3A_93 = arith.subf %select_n3A_88, %sub3A_92 : vector<64x32x32xf32>
    %exp3A_94 = math.exp %sub3A_93 : vector<64x32x32xf32>
    %reduce_sum3A_95 = arith.constant dense<0.000000e+00> : vector<64x32xf32>
    %reduce_sum3A_96 = vector.multi_reduction <add>, %exp3A_94, %reduce_sum3A_95 [2] : vector<64x32x32xf32> to vector<64x32xf32>
    %broadcast_in_dim3A_97 = vector.shape_cast %reduce_sum3A_96 : vector<64x32xf32> to vector<64x32x1xf32>
    %div3A_98 = vector.broadcast %broadcast_in_dim3A_97 : vector<64x32x1xf32> to vector<64x32x32xf32>
    %div3A_99 = arith.divf %exp3A_94, %div3A_98 : vector<64x32x32xf32>
    %dot_general3A_100 = arith.constant dense<0.000000e+00> : vector<64x32x16xf32>
    %dot_general3A_101 = tpu.matmul %div3A_99, %squeeze3A_77, %dot_general3A_100 {dimension_numbers = #tpu.dot_dimension_numbers<[2], [1], [1], [2], [0, 0, 0, 1, 1, 2], [0], [0]>, transpose_lhs_hint = false} : vector<64x32x32xf32>, vector<64x32x16xf32>, vector<64x32x16xf32> -> vector<64x32x16xf32>
    %slice3A_102 = vector.extract_strided_slice %reshape3A_34 {offsets = [0, 0, 2, 0], sizes = [64, 32, 1, 16], strides = [1, 1, 1, 1]} : vector<64x32x8x16xf32> to vector<64x32x1x16xf32>
    %squeeze3A_103 = vector.shape_cast %slice3A_102 : vector<64x32x1x16xf32> to vector<64x32x16xf32>
    %slice3A_104 = vector.extract_strided_slice %reshape3A_40 {offsets = [0, 0, 2, 0], sizes = [64, 32, 1, 16], strides = [1, 1, 1, 1]} : vector<64x32x8x16xf32> to vector<64x32x1x16xf32>
    %squeeze3A_105 = vector.shape_cast %slice3A_104 : vector<64x32x1x16xf32> to vector<64x32x16xf32>
    %slice3A_106 = vector.extract_strided_slice %reshape3A_46 {offsets = [0, 0, 2, 0], sizes = [64, 32, 1, 16], strides = [1, 1, 1, 1]} : vector<64x32x8x16xf32> to vector<64x32x1x16xf32>
    %squeeze3A_107 = vector.shape_cast %slice3A_106 : vector<64x32x1x16xf32> to vector<64x32x16xf32>
    %dot_general3A_108 = arith.constant dense<0.000000e+00> : vector<64x32x32xf32>
    %dot_general3A_109 = tpu.matmul %squeeze3A_103, %squeeze3A_105, %dot_general3A_108 {dimension_numbers = #tpu.dot_dimension_numbers<[2], [2], [1], [1], [0, 0, 0, 1, 1, 1], [0], [0]>, transpose_lhs_hint = false} : vector<64x32x16xf32>, vector<64x32x16xf32>, vector<64x32x32xf32> -> vector<64x32x32xf32>
    %mul3A_110 = arith.constant 0.0883883461 : f32
    %mul3A_111 = vector.broadcast %mul3A_110 : f32 to vector<64x32x32xf32>
    %mul3A_112 = arith.mulf %dot_general3A_109, %mul3A_111 : vector<64x32x32xf32>
    %broadcast_in_dim3A_113 = vector.shape_cast %ge3A : vector<32x32xi1> to vector<1x32x32xi1>
    %jit3A_114 = arith.constant -1.000000e+09 : f32
    %broadcast_in_dim3A_115 = vector.shape_cast %broadcast_in_dim3A_113 : vector<1x32x32xi1> to vector<1x32x32xi1>
    %broadcast_in_dim3A_116 = vector.broadcast %broadcast_in_dim3A_115 : vector<1x32x32xi1> to vector<64x32x32xi1>
    %broadcast_in_dim3A_117 = vector.broadcast %jit3A_114 : f32 to vector<64x32x32xf32>
    %select_n3A_118 = arith.select %broadcast_in_dim3A_116, %mul3A_112, %broadcast_in_dim3A_117 : vector<64x32x32xi1>, vector<64x32x32xf32>
    %reduce_max3A_119 = arith.constant dense<0xFF800000> : vector<64x32xf32>
    %reduce_max3A_120 = vector.multi_reduction <maximumf>, %select_n3A_118, %reduce_max3A_119 [2] : vector<64x32x32xf32> to vector<64x32xf32>
    %broadcast_in_dim3A_121 = vector.shape_cast %reduce_max3A_120 : vector<64x32xf32> to vector<64x32x1xf32>
    %sub3A_122 = vector.broadcast %broadcast_in_dim3A_121 : vector<64x32x1xf32> to vector<64x32x32xf32>
    %sub3A_123 = arith.subf %select_n3A_118, %sub3A_122 : vector<64x32x32xf32>
    %exp3A_124 = math.exp %sub3A_123 : vector<64x32x32xf32>
    %reduce_sum3A_125 = arith.constant dense<0.000000e+00> : vector<64x32xf32>
    %reduce_sum3A_126 = vector.multi_reduction <add>, %exp3A_124, %reduce_sum3A_125 [2] : vector<64x32x32xf32> to vector<64x32xf32>
    %broadcast_in_dim3A_127 = vector.shape_cast %reduce_sum3A_126 : vector<64x32xf32> to vector<64x32x1xf32>
    %div3A_128 = vector.broadcast %broadcast_in_dim3A_127 : vector<64x32x1xf32> to vector<64x32x32xf32>
    %div3A_129 = arith.divf %exp3A_124, %div3A_128 : vector<64x32x32xf32>
    %dot_general3A_130 = arith.constant dense<0.000000e+00> : vector<64x32x16xf32>
    %dot_general3A_131 = tpu.matmul %div3A_129, %squeeze3A_107, %dot_general3A_130 {dimension_numbers = #tpu.dot_dimension_numbers<[2], [1], [1], [2], [0, 0, 0, 1, 1, 2], [0], [0]>, transpose_lhs_hint = false} : vector<64x32x32xf32>, vector<64x32x16xf32>, vector<64x32x16xf32> -> vector<64x32x16xf32>
    %slice3A_132 = vector.extract_strided_slice %reshape3A_34 {offsets = [0, 0, 3, 0], sizes = [64, 32, 1, 16], strides = [1, 1, 1, 1]} : vector<64x32x8x16xf32> to vector<64x32x1x16xf32>
    %squeeze3A_133 = vector.shape_cast %slice3A_132 : vector<64x32x1x16xf32> to vector<64x32x16xf32>
    %slice3A_134 = vector.extract_strided_slice %reshape3A_40 {offsets = [0, 0, 3, 0], sizes = [64, 32, 1, 16], strides = [1, 1, 1, 1]} : vector<64x32x8x16xf32> to vector<64x32x1x16xf32>
    %squeeze3A_135 = vector.shape_cast %slice3A_134 : vector<64x32x1x16xf32> to vector<64x32x16xf32>
    %slice3A_136 = vector.extract_strided_slice %reshape3A_46 {offsets = [0, 0, 3, 0], sizes = [64, 32, 1, 16], strides = [1, 1, 1, 1]} : vector<64x32x8x16xf32> to vector<64x32x1x16xf32>
    %squeeze3A_137 = vector.shape_cast %slice3A_136 : vector<64x32x1x16xf32> to vector<64x32x16xf32>
    %dot_general3A_138 = arith.constant dense<0.000000e+00> : vector<64x32x32xf32>
    %dot_general3A_139 = tpu.matmul %squeeze3A_133, %squeeze3A_135, %dot_general3A_138 {dimension_numbers = #tpu.dot_dimension_numbers<[2], [2], [1], [1], [0, 0, 0, 1, 1, 1], [0], [0]>, transpose_lhs_hint = false} : vector<64x32x16xf32>, vector<64x32x16xf32>, vector<64x32x32xf32> -> vector<64x32x32xf32>
    %mul3A_140 = arith.constant 0.0883883461 : f32
    %mul3A_141 = vector.broadcast %mul3A_140 : f32 to vector<64x32x32xf32>
    %mul3A_142 = arith.mulf %dot_general3A_139, %mul3A_141 : vector<64x32x32xf32>
    %broadcast_in_dim3A_143 = vector.shape_cast %ge3A : vector<32x32xi1> to vector<1x32x32xi1>
    %jit3A_144 = arith.constant -1.000000e+09 : f32
    %broadcast_in_dim3A_145 = vector.shape_cast %broadcast_in_dim3A_143 : vector<1x32x32xi1> to vector<1x32x32xi1>
    %broadcast_in_dim3A_146 = vector.broadcast %broadcast_in_dim3A_145 : vector<1x32x32xi1> to vector<64x32x32xi1>
    %broadcast_in_dim3A_147 = vector.broadcast %jit3A_144 : f32 to vector<64x32x32xf32>
    %select_n3A_148 = arith.select %broadcast_in_dim3A_146, %mul3A_142, %broadcast_in_dim3A_147 : vector<64x32x32xi1>, vector<64x32x32xf32>
    %reduce_max3A_149 = arith.constant dense<0xFF800000> : vector<64x32xf32>
    %reduce_max3A_150 = vector.multi_reduction <maximumf>, %select_n3A_148, %reduce_max3A_149 [2] : vector<64x32x32xf32> to vector<64x32xf32>
    %broadcast_in_dim3A_151 = vector.shape_cast %reduce_max3A_150 : vector<64x32xf32> to vector<64x32x1xf32>
    %sub3A_152 = vector.broadcast %broadcast_in_dim3A_151 : vector<64x32x1xf32> to vector<64x32x32xf32>
    %sub3A_153 = arith.subf %select_n3A_148, %sub3A_152 : vector<64x32x32xf32>
    %exp3A_154 = math.exp %sub3A_153 : vector<64x32x32xf32>
    %reduce_sum3A_155 = arith.constant dense<0.000000e+00> : vector<64x32xf32>
    %reduce_sum3A_156 = vector.multi_reduction <add>, %exp3A_154, %reduce_sum3A_155 [2] : vector<64x32x32xf32> to vector<64x32xf32>
    %broadcast_in_dim3A_157 = vector.shape_cast %reduce_sum3A_156 : vector<64x32xf32> to vector<64x32x1xf32>
    %div3A_158 = vector.broadcast %broadcast_in_dim3A_157 : vector<64x32x1xf32> to vector<64x32x32xf32>
    %div3A_159 = arith.divf %exp3A_154, %div3A_158 : vector<64x32x32xf32>
    %dot_general3A_160 = arith.constant dense<0.000000e+00> : vector<64x32x16xf32>
    %dot_general3A_161 = tpu.matmul %div3A_159, %squeeze3A_137, %dot_general3A_160 {dimension_numbers = #tpu.dot_dimension_numbers<[2], [1], [1], [2], [0, 0, 0, 1, 1, 2], [0], [0]>, transpose_lhs_hint = false} : vector<64x32x32xf32>, vector<64x32x16xf32>, vector<64x32x16xf32> -> vector<64x32x16xf32>
    %slice3A_162 = vector.extract_strided_slice %reshape3A_34 {offsets = [0, 0, 4, 0], sizes = [64, 32, 1, 16], strides = [1, 1, 1, 1]} : vector<64x32x8x16xf32> to vector<64x32x1x16xf32>
    %squeeze3A_163 = vector.shape_cast %slice3A_162 : vector<64x32x1x16xf32> to vector<64x32x16xf32>
    %slice3A_164 = vector.extract_strided_slice %reshape3A_40 {offsets = [0, 0, 4, 0], sizes = [64, 32, 1, 16], strides = [1, 1, 1, 1]} : vector<64x32x8x16xf32> to vector<64x32x1x16xf32>
    %squeeze3A_165 = vector.shape_cast %slice3A_164 : vector<64x32x1x16xf32> to vector<64x32x16xf32>
    %slice3A_166 = vector.extract_strided_slice %reshape3A_46 {offsets = [0, 0, 4, 0], sizes = [64, 32, 1, 16], strides = [1, 1, 1, 1]} : vector<64x32x8x16xf32> to vector<64x32x1x16xf32>
    %squeeze3A_167 = vector.shape_cast %slice3A_166 : vector<64x32x1x16xf32> to vector<64x32x16xf32>
    %dot_general3A_168 = arith.constant dense<0.000000e+00> : vector<64x32x32xf32>
    %dot_general3A_169 = tpu.matmul %squeeze3A_163, %squeeze3A_165, %dot_general3A_168 {dimension_numbers = #tpu.dot_dimension_numbers<[2], [2], [1], [1], [0, 0, 0, 1, 1, 1], [0], [0]>, transpose_lhs_hint = false} : vector<64x32x16xf32>, vector<64x32x16xf32>, vector<64x32x32xf32> -> vector<64x32x32xf32>
    %mul3A_170 = arith.constant 0.0883883461 : f32
    %mul3A_171 = vector.broadcast %mul3A_170 : f32 to vector<64x32x32xf32>
    %mul3A_172 = arith.mulf %dot_general3A_169, %mul3A_171 : vector<64x32x32xf32>
    %broadcast_in_dim3A_173 = vector.shape_cast %ge3A : vector<32x32xi1> to vector<1x32x32xi1>
    %jit3A_174 = arith.constant -1.000000e+09 : f32
    %broadcast_in_dim3A_175 = vector.shape_cast %broadcast_in_dim3A_173 : vector<1x32x32xi1> to vector<1x32x32xi1>
    %broadcast_in_dim3A_176 = vector.broadcast %broadcast_in_dim3A_175 : vector<1x32x32xi1> to vector<64x32x32xi1>
    %broadcast_in_dim3A_177 = vector.broadcast %jit3A_174 : f32 to vector<64x32x32xf32>
    %select_n3A_178 = arith.select %broadcast_in_dim3A_176, %mul3A_172, %broadcast_in_dim3A_177 : vector<64x32x32xi1>, vector<64x32x32xf32>
    %reduce_max3A_179 = arith.constant dense<0xFF800000> : vector<64x32xf32>
    %reduce_max3A_180 = vector.multi_reduction <maximumf>, %select_n3A_178, %reduce_max3A_179 [2] : vector<64x32x32xf32> to vector<64x32xf32>
    %broadcast_in_dim3A_181 = vector.shape_cast %reduce_max3A_180 : vector<64x32xf32> to vector<64x32x1xf32>
    %sub3A_182 = vector.broadcast %broadcast_in_dim3A_181 : vector<64x32x1xf32> to vector<64x32x32xf32>
    %sub3A_183 = arith.subf %select_n3A_178, %sub3A_182 : vector<64x32x32xf32>
    %exp3A_184 = math.exp %sub3A_183 : vector<64x32x32xf32>
    %reduce_sum3A_185 = arith.constant dense<0.000000e+00> : vector<64x32xf32>
    %reduce_sum3A_186 = vector.multi_reduction <add>, %exp3A_184, %reduce_sum3A_185 [2] : vector<64x32x32xf32> to vector<64x32xf32>
    %broadcast_in_dim3A_187 = vector.shape_cast %reduce_sum3A_186 : vector<64x32xf32> to vector<64x32x1xf32>
    %div3A_188 = vector.broadcast %broadcast_in_dim3A_187 : vector<64x32x1xf32> to vector<64x32x32xf32>
    %div3A_189 = arith.divf %exp3A_184, %div3A_188 : vector<64x32x32xf32>
    %dot_general3A_190 = arith.constant dense<0.000000e+00> : vector<64x32x16xf32>
    %dot_general3A_191 = tpu.matmul %div3A_189, %squeeze3A_167, %dot_general3A_190 {dimension_numbers = #tpu.dot_dimension_numbers<[2], [1], [1], [2], [0, 0, 0, 1, 1, 2], [0], [0]>, transpose_lhs_hint = false} : vector<64x32x32xf32>, vector<64x32x16xf32>, vector<64x32x16xf32> -> vector<64x32x16xf32>
    %slice3A_192 = vector.extract_strided_slice %reshape3A_34 {offsets = [0, 0, 5, 0], sizes = [64, 32, 1, 16], strides = [1, 1, 1, 1]} : vector<64x32x8x16xf32> to vector<64x32x1x16xf32>
    %squeeze3A_193 = vector.shape_cast %slice3A_192 : vector<64x32x1x16xf32> to vector<64x32x16xf32>
    %slice3A_194 = vector.extract_strided_slice %reshape3A_40 {offsets = [0, 0, 5, 0], sizes = [64, 32, 1, 16], strides = [1, 1, 1, 1]} : vector<64x32x8x16xf32> to vector<64x32x1x16xf32>
    %squeeze3A_195 = vector.shape_cast %slice3A_194 : vector<64x32x1x16xf32> to vector<64x32x16xf32>
    %slice3A_196 = vector.extract_strided_slice %reshape3A_46 {offsets = [0, 0, 5, 0], sizes = [64, 32, 1, 16], strides = [1, 1, 1, 1]} : vector<64x32x8x16xf32> to vector<64x32x1x16xf32>
    %squeeze3A_197 = vector.shape_cast %slice3A_196 : vector<64x32x1x16xf32> to vector<64x32x16xf32>
    %dot_general3A_198 = arith.constant dense<0.000000e+00> : vector<64x32x32xf32>
    %dot_general3A_199 = tpu.matmul %squeeze3A_193, %squeeze3A_195, %dot_general3A_198 {dimension_numbers = #tpu.dot_dimension_numbers<[2], [2], [1], [1], [0, 0, 0, 1, 1, 1], [0], [0]>, transpose_lhs_hint = false} : vector<64x32x16xf32>, vector<64x32x16xf32>, vector<64x32x32xf32> -> vector<64x32x32xf32>
    %mul3A_200 = arith.constant 0.0883883461 : f32
    %mul3A_201 = vector.broadcast %mul3A_200 : f32 to vector<64x32x32xf32>
    %mul3A_202 = arith.mulf %dot_general3A_199, %mul3A_201 : vector<64x32x32xf32>
    %broadcast_in_dim3A_203 = vector.shape_cast %ge3A : vector<32x32xi1> to vector<1x32x32xi1>
    %jit3A_204 = arith.constant -1.000000e+09 : f32
    %broadcast_in_dim3A_205 = vector.shape_cast %broadcast_in_dim3A_203 : vector<1x32x32xi1> to vector<1x32x32xi1>
    %broadcast_in_dim3A_206 = vector.broadcast %broadcast_in_dim3A_205 : vector<1x32x32xi1> to vector<64x32x32xi1>
    %broadcast_in_dim3A_207 = vector.broadcast %jit3A_204 : f32 to vector<64x32x32xf32>
    %select_n3A_208 = arith.select %broadcast_in_dim3A_206, %mul3A_202, %broadcast_in_dim3A_207 : vector<64x32x32xi1>, vector<64x32x32xf32>
    %reduce_max3A_209 = arith.constant dense<0xFF800000> : vector<64x32xf32>
    %reduce_max3A_210 = vector.multi_reduction <maximumf>, %select_n3A_208, %reduce_max3A_209 [2] : vector<64x32x32xf32> to vector<64x32xf32>
    %broadcast_in_dim3A_211 = vector.shape_cast %reduce_max3A_210 : vector<64x32xf32> to vector<64x32x1xf32>
    %sub3A_212 = vector.broadcast %broadcast_in_dim3A_211 : vector<64x32x1xf32> to vector<64x32x32xf32>
    %sub3A_213 = arith.subf %select_n3A_208, %sub3A_212 : vector<64x32x32xf32>
    %exp3A_214 = math.exp %sub3A_213 : vector<64x32x32xf32>
    %reduce_sum3A_215 = arith.constant dense<0.000000e+00> : vector<64x32xf32>
    %reduce_sum3A_216 = vector.multi_reduction <add>, %exp3A_214, %reduce_sum3A_215 [2] : vector<64x32x32xf32> to vector<64x32xf32>
    %broadcast_in_dim3A_217 = vector.shape_cast %reduce_sum3A_216 : vector<64x32xf32> to vector<64x32x1xf32>
    %div3A_218 = vector.broadcast %broadcast_in_dim3A_217 : vector<64x32x1xf32> to vector<64x32x32xf32>
    %div3A_219 = arith.divf %exp3A_214, %div3A_218 : vector<64x32x32xf32>
    %dot_general3A_220 = arith.constant dense<0.000000e+00> : vector<64x32x16xf32>
    %dot_general3A_221 = tpu.matmul %div3A_219, %squeeze3A_197, %dot_general3A_220 {dimension_numbers = #tpu.dot_dimension_numbers<[2], [1], [1], [2], [0, 0, 0, 1, 1, 2], [0], [0]>, transpose_lhs_hint = false} : vector<64x32x32xf32>, vector<64x32x16xf32>, vector<64x32x16xf32> -> vector<64x32x16xf32>
    %slice3A_222 = vector.extract_strided_slice %reshape3A_34 {offsets = [0, 0, 6, 0], sizes = [64, 32, 1, 16], strides = [1, 1, 1, 1]} : vector<64x32x8x16xf32> to vector<64x32x1x16xf32>
    %squeeze3A_223 = vector.shape_cast %slice3A_222 : vector<64x32x1x16xf32> to vector<64x32x16xf32>
    %slice3A_224 = vector.extract_strided_slice %reshape3A_40 {offsets = [0, 0, 6, 0], sizes = [64, 32, 1, 16], strides = [1, 1, 1, 1]} : vector<64x32x8x16xf32> to vector<64x32x1x16xf32>
    %squeeze3A_225 = vector.shape_cast %slice3A_224 : vector<64x32x1x16xf32> to vector<64x32x16xf32>
    %slice3A_226 = vector.extract_strided_slice %reshape3A_46 {offsets = [0, 0, 6, 0], sizes = [64, 32, 1, 16], strides = [1, 1, 1, 1]} : vector<64x32x8x16xf32> to vector<64x32x1x16xf32>
    %squeeze3A_227 = vector.shape_cast %slice3A_226 : vector<64x32x1x16xf32> to vector<64x32x16xf32>
    %dot_general3A_228 = arith.constant dense<0.000000e+00> : vector<64x32x32xf32>
    %dot_general3A_229 = tpu.matmul %squeeze3A_223, %squeeze3A_225, %dot_general3A_228 {dimension_numbers = #tpu.dot_dimension_numbers<[2], [2], [1], [1], [0, 0, 0, 1, 1, 1], [0], [0]>, transpose_lhs_hint = false} : vector<64x32x16xf32>, vector<64x32x16xf32>, vector<64x32x32xf32> -> vector<64x32x32xf32>
    %mul3A_230 = arith.constant 0.0883883461 : f32
    %mul3A_231 = vector.broadcast %mul3A_230 : f32 to vector<64x32x32xf32>
    %mul3A_232 = arith.mulf %dot_general3A_229, %mul3A_231 : vector<64x32x32xf32>
    %broadcast_in_dim3A_233 = vector.shape_cast %ge3A : vector<32x32xi1> to vector<1x32x32xi1>
    %jit3A_234 = arith.constant -1.000000e+09 : f32
    %broadcast_in_dim3A_235 = vector.shape_cast %broadcast_in_dim3A_233 : vector<1x32x32xi1> to vector<1x32x32xi1>
    %broadcast_in_dim3A_236 = vector.broadcast %broadcast_in_dim3A_235 : vector<1x32x32xi1> to vector<64x32x32xi1>
    %broadcast_in_dim3A_237 = vector.broadcast %jit3A_234 : f32 to vector<64x32x32xf32>
    %select_n3A_238 = arith.select %broadcast_in_dim3A_236, %mul3A_232, %broadcast_in_dim3A_237 : vector<64x32x32xi1>, vector<64x32x32xf32>
    %reduce_max3A_239 = arith.constant dense<0xFF800000> : vector<64x32xf32>
    %reduce_max3A_240 = vector.multi_reduction <maximumf>, %select_n3A_238, %reduce_max3A_239 [2] : vector<64x32x32xf32> to vector<64x32xf32>
    %broadcast_in_dim3A_241 = vector.shape_cast %reduce_max3A_240 : vector<64x32xf32> to vector<64x32x1xf32>
    %sub3A_242 = vector.broadcast %broadcast_in_dim3A_241 : vector<64x32x1xf32> to vector<64x32x32xf32>
    %sub3A_243 = arith.subf %select_n3A_238, %sub3A_242 : vector<64x32x32xf32>
    %exp3A_244 = math.exp %sub3A_243 : vector<64x32x32xf32>
    %reduce_sum3A_245 = arith.constant dense<0.000000e+00> : vector<64x32xf32>
    %reduce_sum3A_246 = vector.multi_reduction <add>, %exp3A_244, %reduce_sum3A_245 [2] : vector<64x32x32xf32> to vector<64x32xf32>
    %broadcast_in_dim3A_247 = vector.shape_cast %reduce_sum3A_246 : vector<64x32xf32> to vector<64x32x1xf32>
    %div3A_248 = vector.broadcast %broadcast_in_dim3A_247 : vector<64x32x1xf32> to vector<64x32x32xf32>
    %div3A_249 = arith.divf %exp3A_244, %div3A_248 : vector<64x32x32xf32>
    %dot_general3A_250 = arith.constant dense<0.000000e+00> : vector<64x32x16xf32>
    %dot_general3A_251 = tpu.matmul %div3A_249, %squeeze3A_227, %dot_general3A_250 {dimension_numbers = #tpu.dot_dimension_numbers<[2], [1], [1], [2], [0, 0, 0, 1, 1, 2], [0], [0]>, transpose_lhs_hint = false} : vector<64x32x32xf32>, vector<64x32x16xf32>, vector<64x32x16xf32> -> vector<64x32x16xf32>
    %slice3A_252 = vector.extract_strided_slice %reshape3A_34 {offsets = [0, 0, 7, 0], sizes = [64, 32, 1, 16], strides = [1, 1, 1, 1]} : vector<64x32x8x16xf32> to vector<64x32x1x16xf32>
    %squeeze3A_253 = vector.shape_cast %slice3A_252 : vector<64x32x1x16xf32> to vector<64x32x16xf32>
    %slice3A_254 = vector.extract_strided_slice %reshape3A_40 {offsets = [0, 0, 7, 0], sizes = [64, 32, 1, 16], strides = [1, 1, 1, 1]} : vector<64x32x8x16xf32> to vector<64x32x1x16xf32>
    %squeeze3A_255 = vector.shape_cast %slice3A_254 : vector<64x32x1x16xf32> to vector<64x32x16xf32>
    %slice3A_256 = vector.extract_strided_slice %reshape3A_46 {offsets = [0, 0, 7, 0], sizes = [64, 32, 1, 16], strides = [1, 1, 1, 1]} : vector<64x32x8x16xf32> to vector<64x32x1x16xf32>
    %squeeze3A_257 = vector.shape_cast %slice3A_256 : vector<64x32x1x16xf32> to vector<64x32x16xf32>
    %dot_general3A_258 = arith.constant dense<0.000000e+00> : vector<64x32x32xf32>
    %dot_general3A_259 = tpu.matmul %squeeze3A_253, %squeeze3A_255, %dot_general3A_258 {dimension_numbers = #tpu.dot_dimension_numbers<[2], [2], [1], [1], [0, 0, 0, 1, 1, 1], [0], [0]>, transpose_lhs_hint = false} : vector<64x32x16xf32>, vector<64x32x16xf32>, vector<64x32x32xf32> -> vector<64x32x32xf32>
    %mul3A_260 = arith.constant 0.0883883461 : f32
    %mul3A_261 = vector.broadcast %mul3A_260 : f32 to vector<64x32x32xf32>
    %mul3A_262 = arith.mulf %dot_general3A_259, %mul3A_261 : vector<64x32x32xf32>
    %broadcast_in_dim3A_263 = vector.shape_cast %ge3A : vector<32x32xi1> to vector<1x32x32xi1>
    %jit3A_264 = arith.constant -1.000000e+09 : f32
    %broadcast_in_dim3A_265 = vector.shape_cast %broadcast_in_dim3A_263 : vector<1x32x32xi1> to vector<1x32x32xi1>
    %broadcast_in_dim3A_266 = vector.broadcast %broadcast_in_dim3A_265 : vector<1x32x32xi1> to vector<64x32x32xi1>
    %broadcast_in_dim3A_267 = vector.broadcast %jit3A_264 : f32 to vector<64x32x32xf32>
    %select_n3A_268 = arith.select %broadcast_in_dim3A_266, %mul3A_262, %broadcast_in_dim3A_267 : vector<64x32x32xi1>, vector<64x32x32xf32>
    %reduce_max3A_269 = arith.constant dense<0xFF800000> : vector<64x32xf32>
    %reduce_max3A_270 = vector.multi_reduction <maximumf>, %select_n3A_268, %reduce_max3A_269 [2] : vector<64x32x32xf32> to vector<64x32xf32>
    %broadcast_in_dim3A_271 = vector.shape_cast %reduce_max3A_270 : vector<64x32xf32> to vector<64x32x1xf32>
    %sub3A_272 = vector.broadcast %broadcast_in_dim3A_271 : vector<64x32x1xf32> to vector<64x32x32xf32>
    %sub3A_273 = arith.subf %select_n3A_268, %sub3A_272 : vector<64x32x32xf32>
    %exp3A_274 = math.exp %sub3A_273 : vector<64x32x32xf32>
    %reduce_sum3A_275 = arith.constant dense<0.000000e+00> : vector<64x32xf32>
    %reduce_sum3A_276 = vector.multi_reduction <add>, %exp3A_274, %reduce_sum3A_275 [2] : vector<64x32x32xf32> to vector<64x32xf32>
    %broadcast_in_dim3A_277 = vector.shape_cast %reduce_sum3A_276 : vector<64x32xf32> to vector<64x32x1xf32>
    %div3A_278 = vector.broadcast %broadcast_in_dim3A_277 : vector<64x32x1xf32> to vector<64x32x32xf32>
    %div3A_279 = arith.divf %exp3A_274, %div3A_278 : vector<64x32x32xf32>
    %dot_general3A_280 = arith.constant dense<0.000000e+00> : vector<64x32x16xf32>
    %dot_general3A_281 = tpu.matmul %div3A_279, %squeeze3A_257, %dot_general3A_280 {dimension_numbers = #tpu.dot_dimension_numbers<[2], [1], [1], [2], [0, 0, 0, 1, 1, 2], [0], [0]>, transpose_lhs_hint = false} : vector<64x32x32xf32>, vector<64x32x16xf32>, vector<64x32x16xf32> -> vector<64x32x16xf32>
    %concatenate3A = tpu.concatenate %dot_general3A_71, %dot_general3A_101, %dot_general3A_131, %dot_general3A_161, %dot_general3A_191, %dot_general3A_221, %dot_general3A_251, %dot_general3A_281 in 2 : vector<64x32x16xf32>, vector<64x32x16xf32>, vector<64x32x16xf32>, vector<64x32x16xf32>, vector<64x32x16xf32>, vector<64x32x16xf32>, vector<64x32x16xf32>, vector<64x32x16xf32> -> vector<64x32x128xf32>
    %reshape3A_282 = vector.shape_cast %concatenate3A : vector<64x32x128xf32> to vector<2048x128xf32>
    %get3A_283 = arith.constant 0 : index
    %get3A_284 = arith.constant 0 : index
    %get3A_285 = vector.load %arg7[%get3A_283, %get3A_284] : memref<128x128xf32, #tpu.memory_space<vmem>>, vector<128x128xf32>
    %dot_general3A_286 = arith.constant dense<0.000000e+00> : vector<2048x128xf32>
    %dot_general3A_287 = tpu.matmul %reshape3A_282, %get3A_285, %dot_general3A_286 {dimension_numbers = #tpu.dot_dimension_numbers<[1], [0], [0], [1], [0, 0, 1, 1], [], []>, transpose_lhs_hint = false} : vector<2048x128xf32>, vector<128x128xf32>, vector<2048x128xf32> -> vector<2048x128xf32>
    %get3A_288 = arith.constant 0 : index
    %get3A_289 = arith.constant 0 : index
    %get3A_290 = vector.load %arg8[%get3A_288, %get3A_289] : memref<1x128xf32, #tpu.memory_space<vmem>>, vector<1x128xf32>
    %add3A_291 = vector.broadcast %get3A_290 : vector<1x128xf32> to vector<2048x128xf32>
    %add3A_292 = arith.addf %dot_general3A_287, %add3A_291 : vector<2048x128xf32>
    %reshape3A_293 = vector.shape_cast %add3A_292 : vector<2048x128xf32> to vector<64x32x128xf32>
    %add3A_294 = arith.addf %get3A_2, %reshape3A_293 : vector<64x32x128xf32>
    %swap3A = arith.constant 0 : index
    %swap3A_295 = arith.constant 0 : index
    %swap3A_296 = arith.constant 0 : index
    %swap3A_297 = vector.load %arg9[%swap3A, %swap3A_295, %swap3A_296] : memref<64x32x128xf32, #tpu.memory_space<vmem>>, vector<64x32x128xf32>
    tpu.vector_store %arg9[%swap3A, %swap3A_295, %swap3A_296], %add3A_294 {strides = array<i32>} : memref<64x32x128xf32, #tpu.memory_space<vmem>>, vector<64x32x128xf32>,
    return
  }
  func.func @transform_0(%arg0: i32) -> (i32, i32, i32) {
    %c0_i32 = arith.constant 0 : i32
    %c0_i32_0 = arith.constant 0 : i32
    %c0_i32_1 = arith.constant 0 : i32
    return %arg0, %c0_i32, %c0_i32_0 : i32, i32, i32
  }
  func.func @transform_1(%arg0: i32) -> (i32, i32) {
    %c0_i32 = arith.constant 0 : i32
    %c0_i32_0 = arith.constant 0 : i32
    %c0_i32_1 = arith.constant 0 : i32
    return %c0_i32, %c0_i32_0 : i32, i32
  }
  func.func @transform_2(%arg0: i32) -> (i32, i32) {
    %c0_i32 = arith.constant 0 : i32
    %c0_i32_0 = arith.constant 0 : i32
    %c0_i32_1 = arith.constant 0 : i32
    return %c0_i32, %c0_i32_0 : i32, i32
  }
  func.func @transform_3(%arg0: i32) -> (i32, i32) {
    %c0_i32 = arith.constant 0 : i32
    %c0_i32_0 = arith.constant 0 : i32
    %c0_i32_1 = arith.constant 0 : i32
    return %c0_i32, %c0_i32_0 : i32, i32
  }
  func.func @transform_4(%arg0: i32) -> (i32, i32) {
    %c0_i32 = arith.constant 0 : i32
    %c0_i32_0 = arith.constant 0 : i32
    %c0_i32_1 = arith.constant 0 : i32
    return %c0_i32, %c0_i32_0 : i32, i32
  }
  func.func @transform_5(%arg0: i32) -> (i32, i32) {
    %c0_i32 = arith.constant 0 : i32
    %c0_i32_0 = arith.constant 0 : i32
    %c0_i32_1 = arith.constant 0 : i32
    return %c0_i32, %c0_i32_0 : i32, i32
  }
  func.func @transform_6(%arg0: i32) -> (i32, i32) {
    %c0_i32 = arith.constant 0 : i32
    %c0_i32_0 = arith.constant 0 : i32
    %c0_i32_1 = arith.constant 0 : i32
    return %c0_i32, %c0_i32_0 : i32, i32
  }
  func.func @transform_7(%arg0: i32) -> (i32, i32) {
    %c0_i32 = arith.constant 0 : i32
    %c0_i32_0 = arith.constant 0 : i32
    %c0_i32_1 = arith.constant 0 : i32
    return %c0_i32, %c0_i32_0 : i32, i32
  }
  func.func @transform_8(%arg0: i32) -> (i32, i32, i32) {
    %c0_i32 = arith.constant 0 : i32
    %c0_i32_0 = arith.constant 0 : i32
    %c0_i32_1 = arith.constant 0 : i32
    return %arg0, %c0_i32, %c0_i32_0 : i32, i32, i32
  }
}

module attributes {stable_mosaic.version = 14 : i64} {
  func.func @_slots_body(%arg0: i32, %arg1: memref<1x16xf32, #tpu.memory_space<vmem>>, %arg2: memref<512x8xf32, #tpu.memory_space<vmem>>, %arg3: memref<512x8xf32, #tpu.memory_space<vmem>>, %arg4: memref<512x8xf32, #tpu.memory_space<vmem>>, %arg5: memref<512x1xi32, #tpu.memory_space<vmem>>, %arg6: memref<512x1xi32, #tpu.memory_space<vmem>>, %arg7: memref<512x1xf32, #tpu.memory_space<vmem>>, %arg8: memref<512x1xf32, #tpu.memory_space<vmem>>) attributes {dimension_semantics = [#tpu.dimension_semantics<arbitrary>], iteration_bounds = array<i64: 32>, scalar_prefetch = 0 : i64, scratch_operands = 0 : i64, tpu.core_type = #tpu.core_type<tc>, window_params = [{pipeline_mode = #tpu.pipeline_mode<synchronous>, transform_indices = @transform_0, window_bounds = array<i64: 1, 16>}, {transform_indices = @transform_1, window_bounds = array<i64: 512, 8>}, {transform_indices = @transform_2, window_bounds = array<i64: 512, 8>}, {transform_indices = @transform_3, window_bounds = array<i64: 512, 8>}, {transform_indices = @transform_4, window_bounds = array<i64: 512, 1>}, {transform_indices = @transform_5, window_bounds = array<i64: 512, 1>}, {transform_indices = @transform_6, window_bounds = array<i64: 512, 1>}, {transform_indices = @transform_7, window_bounds = array<i64: 512, 1>}]} {
    %convert_element_type3A = arith.sitofp %arg0 : i32 to f32
    %mul3A = arith.constant 5.120000e+02 : f32
    %mul3A_0 = arith.mulf %convert_element_type3A, %mul3A : f32
    %iota3A = tpu.iota {dimensions = array<i32: 0>} : vector<512x1xi32>
    %convert_element_type3A_1 = arith.sitofp %iota3A : vector<512x1xi32> to vector<512x1xf32>
    %add3A = vector.broadcast %mul3A_0 : f32 to vector<512x1xf32>
    %add3A_2 = arith.addf %add3A, %convert_element_type3A_1 : vector<512x1xf32>
    %add3A_3 = arith.constant 3.276800e+04 : f32
    %add3A_4 = vector.broadcast %add3A_3 : f32 to vector<512x1xf32>
    %add3A_5 = arith.addf %add3A_4, %add3A_2 : vector<512x1xf32>
    %get3A = arith.constant 0 : index
    %get3A_6 = arith.constant 8 : index
    %get3A_7 = vector.load %arg1[%get3A, %get3A_6] : memref<1x16xf32, #tpu.memory_space<vmem>>, vector<1x1xf32>
    %get3A_8 = vector.extract %get3A_7[0, 0] : f32 from vector<1x1xf32>
    %mul3A_9 = arith.constant 2.000000e+00 : f32
    %mul3A_10 = arith.mulf %get3A_8, %mul3A_9 : f32
    %div3A = arith.constant 8.000000e+00 : f32
    %div3A_11 = arith.divf %mul3A_10, %div3A : f32
    %floor3A = math.floor %div3A_11 : f32
    %get3A_12 = arith.constant 0 : index
    %get3A_13 = arith.constant 0 : index
    %get3A_14 = vector.load %arg3[%get3A_12, %get3A_13] : memref<512x8xf32, #tpu.memory_space<vmem>>, vector<512x8xf32>
    %get3A_15 = arith.constant 0 : index
    %get3A_16 = arith.constant 0 : index
    %get3A_17 = vector.load %arg2[%get3A_15, %get3A_16] : memref<512x8xf32, #tpu.memory_space<vmem>>, vector<512x8xf32>
    %get3A_18 = arith.constant 0 : index
    %get3A_19 = arith.constant 0 : index
    %get3A_20 = vector.load %arg4[%get3A_18, %get3A_19] : memref<512x8xf32, #tpu.memory_space<vmem>>, vector<512x8xf32>
    %iota3A_21 = tpu.iota {dimensions = array<i32: 0>} : vector<8x8xi32>
    %iota3A_22 = tpu.iota {dimensions = array<i32: 1>} : vector<8x8xi32>
    %le3A = arith.cmpi sle, %iota3A_21, %iota3A_22 : vector<8x8xi32>
    %convert_element_type3A_23 = arith.extui %le3A : vector<8x8xi1> to vector<8x8xi32>
    %convert_element_type3A_24 = arith.sitofp %convert_element_type3A_23 : vector<8x8xi32> to vector<8x8xf32>
    %dot_general3A = arith.constant dense<0.000000e+00> : vector<512x8xf32>
    %dot_general3A_25 = tpu.matmul %get3A_14, %convert_element_type3A_24, %dot_general3A {dimension_numbers = #tpu.dot_dimension_numbers<[1], [0], [0], [1], [0, 0, 1, 1], [], []>, transpose_lhs_hint = false} : vector<512x8xf32>, vector<8x8xf32>, vector<512x8xf32> -> vector<512x8xf32>
    %gt3A = arith.constant 0.000000e+00 : f32
    %gt3A_26 = vector.broadcast %gt3A : f32 to vector<512x8xf32>
    %gt3A_27 = arith.cmpf ogt, %get3A_14, %gt3A_26 : vector<512x8xf32>
    %eq3A = arith.constant 1.000000e+00 : f32
    %eq3A_28 = vector.broadcast %eq3A : f32 to vector<512x8xf32>
    %eq3A_29 = arith.cmpf oeq, %dot_general3A_25, %eq3A_28 : vector<512x8xf32>
    %and3A = arith.andi %gt3A_27, %eq3A_29 : vector<512x8xi1>
    %gt3A_30 = arith.constant 0.000000e+00 : f32
    %gt3A_31 = vector.broadcast %gt3A_30 : f32 to vector<512x8xf32>
    %gt3A_32 = arith.cmpf ogt, %get3A_14, %gt3A_31 : vector<512x8xf32>
    %eq3A_33 = arith.constant 2.000000e+00 : f32
    %eq3A_34 = vector.broadcast %eq3A_33 : f32 to vector<512x8xf32>
    %eq3A_35 = arith.cmpf oeq, %dot_general3A_25, %eq3A_34 : vector<512x8xf32>
    %and3A_36 = arith.andi %gt3A_32, %eq3A_35 : vector<512x8xi1>
    %le3A_37 = vector.broadcast %floor3A : f32 to vector<512x8xf32>
    %le3A_38 = arith.cmpf ole, %get3A_17, %le3A_37 : vector<512x8xf32>
    %iota3A_39 = tpu.iota {dimensions = array<i32: 1>} : vector<512x8xi32>
    %convert_element_type3A_40 = arith.sitofp %iota3A_39 : vector<512x8xi32> to vector<512x8xf32>
    %mul3A_41 = arith.constant 4.096000e+03 : f32
    %mul3A_42 = vector.broadcast %mul3A_41 : f32 to vector<512x8xf32>
    %mul3A_43 = arith.mulf %convert_element_type3A_40, %mul3A_42 : vector<512x8xf32>
    %add3A_44 = arith.addf %mul3A_43, %get3A_17 : vector<512x8xf32>
    %sub3A = arith.constant 1.000000e+00 : f32
    %sub3A_45 = vector.broadcast %sub3A : f32 to vector<512x8xf32>
    %sub3A_46 = arith.subf %add3A_44, %sub3A_45 : vector<512x8xf32>
    %and3A_47 = arith.andi %and3A, %le3A_38 : vector<512x8xi1>
    %convert_element_type3A_48 = arith.extui %and3A_47 : vector<512x8xi1> to vector<512x8xi32>
    %convert_element_type3A_49 = arith.sitofp %convert_element_type3A_48 : vector<512x8xi32> to vector<512x8xf32>
    %reduce_sum3A = arith.constant dense<0.000000e+00> : vector<512xf32>
    %reduce_sum3A_50 = vector.multi_reduction <add>, %convert_element_type3A_49, %reduce_sum3A [1] : vector<512x8xf32> to vector<512xf32>
    %broadcast_in_dim3A = vector.shape_cast %reduce_sum3A_50 : vector<512xf32> to vector<512x1xf32>
    %mul3A_51 = arith.mulf %convert_element_type3A_49, %sub3A_46 : vector<512x8xf32>
    %reduce_sum3A_52 = arith.constant dense<0.000000e+00> : vector<512xf32>
    %reduce_sum3A_53 = vector.multi_reduction <add>, %mul3A_51, %reduce_sum3A_52 [1] : vector<512x8xf32> to vector<512xf32>
    %broadcast_in_dim3A_54 = vector.shape_cast %reduce_sum3A_53 : vector<512xf32> to vector<512x1xf32>
    %gt3A_55 = arith.constant 0.000000e+00 : f32
    %gt3A_56 = vector.broadcast %gt3A_55 : f32 to vector<512x1xf32>
    %gt3A_57 = arith.cmpf ogt, %broadcast_in_dim3A, %gt3A_56 : vector<512x1xf32>
    %select_n3A = arith.select %gt3A_57, %broadcast_in_dim3A_54, %add3A_5 : vector<512x1xi1>, vector<512x1xf32>
    %mul3A_58 = arith.mulf %convert_element_type3A_49, %get3A_20 : vector<512x8xf32>
    %reduce_sum3A_59 = arith.constant dense<0.000000e+00> : vector<512xf32>
    %reduce_sum3A_60 = vector.multi_reduction <add>, %mul3A_58, %reduce_sum3A_59 [1] : vector<512x8xf32> to vector<512xf32>
    %broadcast_in_dim3A_61 = vector.shape_cast %reduce_sum3A_60 : vector<512xf32> to vector<512x1xf32>
    %and3A_62 = arith.andi %and3A_36, %le3A_38 : vector<512x8xi1>
    %convert_element_type3A_63 = arith.extui %and3A_62 : vector<512x8xi1> to vector<512x8xi32>
    %convert_element_type3A_64 = arith.sitofp %convert_element_type3A_63 : vector<512x8xi32> to vector<512x8xf32>
    %reduce_sum3A_65 = arith.constant dense<0.000000e+00> : vector<512xf32>
    %reduce_sum3A_66 = vector.multi_reduction <add>, %convert_element_type3A_64, %reduce_sum3A_65 [1] : vector<512x8xf32> to vector<512xf32>
    %broadcast_in_dim3A_67 = vector.shape_cast %reduce_sum3A_66 : vector<512xf32> to vector<512x1xf32>
    %mul3A_68 = arith.mulf %convert_element_type3A_64, %sub3A_46 : vector<512x8xf32>
    %reduce_sum3A_69 = arith.constant dense<0.000000e+00> : vector<512xf32>
    %reduce_sum3A_70 = vector.multi_reduction <add>, %mul3A_68, %reduce_sum3A_69 [1] : vector<512x8xf32> to vector<512xf32>
    %broadcast_in_dim3A_71 = vector.shape_cast %reduce_sum3A_70 : vector<512xf32> to vector<512x1xf32>
    %gt3A_72 = arith.constant 0.000000e+00 : f32
    %gt3A_73 = vector.broadcast %gt3A_72 : f32 to vector<512x1xf32>
    %gt3A_74 = arith.cmpf ogt, %broadcast_in_dim3A_67, %gt3A_73 : vector<512x1xf32>
    %select_n3A_75 = arith.select %gt3A_74, %broadcast_in_dim3A_71, %add3A_5 : vector<512x1xi1>, vector<512x1xf32>
    %mul3A_76 = arith.mulf %convert_element_type3A_64, %get3A_20 : vector<512x8xf32>
    %reduce_sum3A_77 = arith.constant dense<0.000000e+00> : vector<512xf32>
    %reduce_sum3A_78 = vector.multi_reduction <add>, %mul3A_76, %reduce_sum3A_77 [1] : vector<512x8xf32> to vector<512xf32>
    %broadcast_in_dim3A_79 = vector.shape_cast %reduce_sum3A_78 : vector<512xf32> to vector<512x1xf32>
    %convert_element_type3A_80 = arith.fptosi %select_n3A : vector<512x1xf32> to vector<512x1xi32>
    %swap3A = arith.constant 0 : index
    %swap3A_81 = arith.constant 0 : index
    %swap3A_82 = vector.load %arg5[%swap3A, %swap3A_81] : memref<512x1xi32, #tpu.memory_space<vmem>>, vector<512x1xi32>
    tpu.vector_store %arg5[%swap3A, %swap3A_81], %convert_element_type3A_80 {strides = array<i32>} : memref<512x1xi32, #tpu.memory_space<vmem>>, vector<512x1xi32>,
    %convert_element_type3A_83 = arith.fptosi %select_n3A_75 : vector<512x1xf32> to vector<512x1xi32>
    %swap3A_84 = arith.constant 0 : index
    %swap3A_85 = arith.constant 0 : index
    %swap3A_86 = vector.load %arg6[%swap3A_84, %swap3A_85] : memref<512x1xi32, #tpu.memory_space<vmem>>, vector<512x1xi32>
    tpu.vector_store %arg6[%swap3A_84, %swap3A_85], %convert_element_type3A_83 {strides = array<i32>} : memref<512x1xi32, #tpu.memory_space<vmem>>, vector<512x1xi32>,
    %swap3A_87 = arith.constant 0 : index
    %swap3A_88 = arith.constant 0 : index
    %swap3A_89 = vector.load %arg7[%swap3A_87, %swap3A_88] : memref<512x1xf32, #tpu.memory_space<vmem>>, vector<512x1xf32>
    tpu.vector_store %arg7[%swap3A_87, %swap3A_88], %broadcast_in_dim3A_61 {strides = array<i32>} : memref<512x1xf32, #tpu.memory_space<vmem>>, vector<512x1xf32>,
    %swap3A_90 = arith.constant 0 : index
    %swap3A_91 = arith.constant 0 : index
    %swap3A_92 = vector.load %arg8[%swap3A_90, %swap3A_91] : memref<512x1xf32, #tpu.memory_space<vmem>>, vector<512x1xf32>
    tpu.vector_store %arg8[%swap3A_90, %swap3A_91], %broadcast_in_dim3A_79 {strides = array<i32>} : memref<512x1xf32, #tpu.memory_space<vmem>>, vector<512x1xf32>,
    return
  }
  func.func @transform_0(%arg0: i32) -> (i32, i32) {
    %c0_i32 = arith.constant 0 : i32
    %c0_i32_0 = arith.constant 0 : i32
    %c0_i32_1 = arith.constant 0 : i32
    return %c0_i32, %c0_i32_0 : i32, i32
  }
  func.func @transform_1(%arg0: i32) -> (i32, i32) {
    %c0_i32 = arith.constant 0 : i32
    %c0_i32_0 = arith.constant 0 : i32
    return %arg0, %c0_i32 : i32, i32
  }
  func.func @transform_2(%arg0: i32) -> (i32, i32) {
    %c0_i32 = arith.constant 0 : i32
    %c0_i32_0 = arith.constant 0 : i32
    return %arg0, %c0_i32 : i32, i32
  }
  func.func @transform_3(%arg0: i32) -> (i32, i32) {
    %c0_i32 = arith.constant 0 : i32
    %c0_i32_0 = arith.constant 0 : i32
    return %arg0, %c0_i32 : i32, i32
  }
  func.func @transform_4(%arg0: i32) -> (i32, i32) {
    %c0_i32 = arith.constant 0 : i32
    %c0_i32_0 = arith.constant 0 : i32
    return %arg0, %c0_i32 : i32, i32
  }
  func.func @transform_5(%arg0: i32) -> (i32, i32) {
    %c0_i32 = arith.constant 0 : i32
    %c0_i32_0 = arith.constant 0 : i32
    return %arg0, %c0_i32 : i32, i32
  }
  func.func @transform_6(%arg0: i32) -> (i32, i32) {
    %c0_i32 = arith.constant 0 : i32
    %c0_i32_0 = arith.constant 0 : i32
    return %arg0, %c0_i32 : i32, i32
  }
  func.func @transform_7(%arg0: i32) -> (i32, i32) {
    %c0_i32 = arith.constant 0 : i32
    %c0_i32_0 = arith.constant 0 : i32
    return %arg0, %c0_i32 : i32, i32
  }
}

module attributes {stable_mosaic.version = 14 : i64} {
  func.func @_router_body(%arg0: i32, %arg1: memref<512x128xf32, #tpu.memory_space<vmem>>, %arg2: memref<1x128xf32, #tpu.memory_space<vmem>>, %arg3: memref<1x128xf32, #tpu.memory_space<vmem>>, %arg4: memref<128x32xf32, #tpu.memory_space<vmem>>, %arg5: memref<1x32xf32, #tpu.memory_space<vmem>>, %arg6: memref<512x8xf32, #tpu.memory_space<vmem>>, %arg7: memref<512x512xf32, #tpu.memory_space<vmem>>, %arg8: memref<512x128xf32, #tpu.memory_space<vmem>>, %arg9: memref<512x8xf32, #tpu.memory_space<vmem>>, %arg10: memref<512x8xf32, #tpu.memory_space<vmem>>, %arg11: memref<512x8xf32, #tpu.memory_space<vmem>>, %arg12: memref<512x8xf32, #tpu.memory_space<vmem>>, %arg13: memref<1x16xf32, #tpu.memory_space<vmem>>, %arg14: memref<1x16xf32, #tpu.memory_space<vmem>>) attributes {dimension_semantics = [#tpu.dimension_semantics<arbitrary>], iteration_bounds = array<i64: 32>, scalar_prefetch = 0 : i64, scratch_operands = 1 : i64, tpu.core_type = #tpu.core_type<tc>, window_params = [{transform_indices = @transform_0, window_bounds = array<i64: 512, 128>}, {pipeline_mode = #tpu.pipeline_mode<synchronous>, transform_indices = @transform_1, window_bounds = array<i64: 1, 128>}, {pipeline_mode = #tpu.pipeline_mode<synchronous>, transform_indices = @transform_2, window_bounds = array<i64: 1, 128>}, {pipeline_mode = #tpu.pipeline_mode<synchronous>, transform_indices = @transform_3, window_bounds = array<i64: 128, 32>}, {pipeline_mode = #tpu.pipeline_mode<synchronous>, transform_indices = @transform_4, window_bounds = array<i64: 1, 32>}, {transform_indices = @transform_5, window_bounds = array<i64: 512, 8>}, {pipeline_mode = #tpu.pipeline_mode<synchronous>, transform_indices = @transform_6, window_bounds = array<i64: 512, 512>}, {transform_indices = @transform_7, window_bounds = array<i64: 512, 128>}, {transform_indices = @transform_8, window_bounds = array<i64: 512, 8>}, {transform_indices = @transform_9, window_bounds = array<i64: 512, 8>}, {transform_indices = @transform_10, window_bounds = array<i64: 512, 8>}, {transform_indices = @transform_11, window_bounds = array<i64: 512, 8>}, {pipeline_mode = #tpu.pipeline_mode<synchronous>, transform_indices = @transform_12, window_bounds = array<i64: 1, 16>}]} {
    %eq3A = arith.constant 0 : i32
    %eq3A_0 = arith.cmpi eq, %arg0, %eq3A : i32
    %convert_element_type3A = arith.extui %eq3A_0 : i1 to i32
    %cond3A = arith.constant 0 : i32
    %cond3A_1 = arith.cmpi ne, %convert_element_type3A, %cond3A : i32
    scf.if %cond3A_1 {
      %broadcast_in_dim3A_170 = arith.constant 0.000000e+00 : f32
      %broadcast_in_dim3A_171 = vector.broadcast %broadcast_in_dim3A_170 : f32 to vector<1x16xf32>
      %swap3A_172 = arith.constant 0 : index
      %swap3A_173 = arith.constant 0 : index
      %swap3A_174 = vector.load %arg14[%swap3A_172, %swap3A_173] : memref<1x16xf32, #tpu.memory_space<vmem>>, vector<1x16xf32>
      tpu.vector_store %arg14[%swap3A_172, %swap3A_173], %broadcast_in_dim3A_171 {strides = array<i32>} : memref<1x16xf32, #tpu.memory_space<vmem>>, vector<1x16xf32>,
    } else {
    }
    %get3A = arith.constant 0 : index
    %get3A_2 = arith.constant 0 : index
    %get3A_3 = vector.load %arg1[%get3A, %get3A_2] : memref<512x128xf32, #tpu.memory_space<vmem>>, vector<512x128xf32>
    %reduce_sum3A = arith.constant dense<0.000000e+00> : vector<512xf32>
    %reduce_sum3A_4 = vector.multi_reduction <add>, %get3A_3, %reduce_sum3A [1] : vector<512x128xf32> to vector<512xf32>
    %broadcast_in_dim3A = vector.shape_cast %reduce_sum3A_4 : vector<512xf32> to vector<512x1xf32>
    %div3A = arith.constant 1.280000e+02 : f32
    %div3A_5 = vector.broadcast %div3A : f32 to vector<512x1xf32>
    %div3A_6 = arith.divf %broadcast_in_dim3A, %div3A_5 : vector<512x1xf32>
    %sub3A = vector.broadcast %div3A_6 : vector<512x1xf32> to vector<512x128xf32>
    %sub3A_7 = arith.subf %get3A_3, %sub3A : vector<512x128xf32>
    %integer_pow3A = arith.mulf %sub3A_7, %sub3A_7 : vector<512x128xf32>
    %reduce_sum3A_8 = arith.constant dense<0.000000e+00> : vector<512xf32>
    %reduce_sum3A_9 = vector.multi_reduction <add>, %integer_pow3A, %reduce_sum3A_8 [1] : vector<512x128xf32> to vector<512xf32>
    %broadcast_in_dim3A_10 = vector.shape_cast %reduce_sum3A_9 : vector<512xf32> to vector<512x1xf32>
    %div3A_11 = arith.constant 1.280000e+02 : f32
    %div3A_12 = vector.broadcast %div3A_11 : f32 to vector<512x1xf32>
    %div3A_13 = arith.divf %broadcast_in_dim3A_10, %div3A_12 : vector<512x1xf32>
    %sub3A_14 = vector.broadcast %div3A_6 : vector<512x1xf32> to vector<512x128xf32>
    %sub3A_15 = arith.subf %get3A_3, %sub3A_14 : vector<512x128xf32>
    %add3A = arith.constant 9.99999974E-6 : f32
    %add3A_16 = vector.broadcast %add3A : f32 to vector<512x1xf32>
    %add3A_17 = arith.addf %div3A_13, %add3A_16 : vector<512x1xf32>
    %sqrt3A = math.sqrt %add3A_17 : vector<512x1xf32>
    %div3A_18 = vector.broadcast %sqrt3A : vector<512x1xf32> to vector<512x128xf32>
    %div3A_19 = arith.divf %sub3A_15, %div3A_18 : vector<512x128xf32>
    %get3A_20 = arith.constant 0 : index
    %get3A_21 = arith.constant 0 : index
    %get3A_22 = vector.load %arg2[%get3A_20, %get3A_21] : memref<1x128xf32, #tpu.memory_space<vmem>>, vector<1x128xf32>
    %mul3A = vector.broadcast %get3A_22 : vector<1x128xf32> to vector<512x128xf32>
    %mul3A_23 = arith.mulf %div3A_19, %mul3A : vector<512x128xf32>
    %get3A_24 = arith.constant 0 : index
    %get3A_25 = arith.constant 0 : index
    %get3A_26 = vector.load %arg3[%get3A_24, %get3A_25] : memref<1x128xf32, #tpu.memory_space<vmem>>, vector<1x128xf32>
    %add3A_27 = vector.broadcast %get3A_26 : vector<1x128xf32> to vector<512x128xf32>
    %add3A_28 = arith.addf %mul3A_23, %add3A_27 : vector<512x128xf32>
    %swap3A = arith.constant 0 : index
    %swap3A_29 = arith.constant 0 : index
    %swap3A_30 = vector.load %arg8[%swap3A, %swap3A_29] : memref<512x128xf32, #tpu.memory_space<vmem>>, vector<512x128xf32>
    tpu.vector_store %arg8[%swap3A, %swap3A_29], %add3A_28 {strides = array<i32>} : memref<512x128xf32, #tpu.memory_space<vmem>>, vector<512x128xf32>,
    %get3A_31 = arith.constant 0 : index
    %get3A_32 = arith.constant 0 : index
    %get3A_33 = vector.load %arg4[%get3A_31, %get3A_32] : memref<128x32xf32, #tpu.memory_space<vmem>>, vector<128x32xf32>
    %dot_general3A = arith.constant dense<0.000000e+00> : vector<512x32xf32>
    %dot_general3A_34 = tpu.matmul %add3A_28, %get3A_33, %dot_general3A {dimension_numbers = #tpu.dot_dimension_numbers<[1], [0], [0], [1], [0, 0, 1, 1], [], []>, transpose_lhs_hint = false} : vector<512x128xf32>, vector<128x32xf32>, vector<512x32xf32> -> vector<512x32xf32>
    %get3A_35 = arith.constant 0 : index
    %get3A_36 = arith.constant 0 : index
    %get3A_37 = vector.load %arg5[%get3A_35, %get3A_36] : memref<1x32xf32, #tpu.memory_space<vmem>>, vector<1x32xf32>
    %add3A_38 = vector.broadcast %get3A_37 : vector<1x32xf32> to vector<512x32xf32>
    %add3A_39 = arith.addf %dot_general3A_34, %add3A_38 : vector<512x32xf32>
    %slice3A = vector.extract_strided_slice %add3A_39 {offsets = [0, 0], sizes = [512, 8], strides = [1, 1]} : vector<512x32xf32> to vector<512x8xf32>
    %slice3A_40 = vector.extract_strided_slice %add3A_39 {offsets = [0, 8], sizes = [512, 8], strides = [1, 1]} : vector<512x32xf32> to vector<512x8xf32>
    %slice3A_41 = vector.extract_strided_slice %add3A_39 {offsets = [0, 16], sizes = [512, 1], strides = [1, 1]} : vector<512x32xf32> to vector<512x1xf32>
    %custom_jvp_call3A = arith.constant 0.000000e+00 : f32
    %max3A = vector.broadcast %custom_jvp_call3A : f32 to vector<512x8xf32>
    %max3A_42 = arith.maximumf %slice3A_40, %max3A : vector<512x8xf32>
    %sub3A_43 = vector.broadcast %custom_jvp_call3A : f32 to vector<512x8xf32>
    %sub3A_44 = arith.subf %slice3A_40, %sub3A_43 : vector<512x8xf32>
    %ne3A = arith.cmpf one, %sub3A_44, %sub3A_44 : vector<512x8xf32>
    %add3A_45 = vector.broadcast %custom_jvp_call3A : f32 to vector<512x8xf32>
    %add3A_46 = arith.addf %slice3A_40, %add3A_45 : vector<512x8xf32>
    %abs3A = math.absf %sub3A_44 : vector<512x8xf32>
    %neg3A = arith.constant 0.000000e+00 : f32
    %neg3A_47 = vector.broadcast %neg3A : f32 to vector<512x8xf32>
    %neg3A_48 = arith.subf %neg3A_47, %abs3A : vector<512x8xf32>
    %exp3A = math.exp %neg3A_48 : vector<512x8xf32>
    %log1p3A = math.log1p %exp3A : vector<512x8xf32>
    %add3A_49 = arith.addf %max3A_42, %log1p3A : vector<512x8xf32>
    %select_n3A = arith.select %ne3A, %add3A_46, %add3A_49 : vector<512x8xi1>, vector<512x8xf32>
    %get3A_50 = arith.constant 0 : index
    %get3A_51 = arith.constant 0 : index
    %get3A_52 = vector.load %arg6[%get3A_50, %get3A_51] : memref<512x8xf32, #tpu.memory_space<vmem>>, vector<512x8xf32>
    %mul3A_53 = arith.mulf %get3A_52, %select_n3A : vector<512x8xf32>
    %add3A_54 = arith.addf %slice3A, %mul3A_53 : vector<512x8xf32>
    %iota3A = tpu.iota {dimensions = array<i32: 0>} : vector<8x8xi32>
    %iota3A_55 = tpu.iota {dimensions = array<i32: 1>} : vector<8x8xi32>
    %le3A = arith.cmpi sle, %iota3A, %iota3A_55 : vector<8x8xi32>
    %convert_element_type3A_56 = arith.extui %le3A : vector<8x8xi1> to vector<8x8xi32>
    %convert_element_type3A_57 = arith.sitofp %convert_element_type3A_56 : vector<8x8xi32> to vector<8x8xf32>
    %reduce_max3A = arith.constant dense<0xFF800000> : vector<512xf32>
    %reduce_max3A_58 = vector.multi_reduction <maximumf>, %add3A_54, %reduce_max3A [1] : vector<512x8xf32> to vector<512xf32>
    %broadcast_in_dim3A_59 = vector.shape_cast %reduce_max3A_58 : vector<512xf32> to vector<512x1xf32>
    %eq3A_60 = vector.broadcast %broadcast_in_dim3A_59 : vector<512x1xf32> to vector<512x8xf32>
    %eq3A_61 = arith.cmpf oeq, %add3A_54, %eq3A_60 : vector<512x8xf32>
    %convert_element_type3A_62 = arith.extui %eq3A_61 : vector<512x8xi1> to vector<512x8xi32>
    %convert_element_type3A_63 = arith.sitofp %convert_element_type3A_62 : vector<512x8xi32> to vector<512x8xf32>
    %dot_general3A_64 = arith.constant dense<0.000000e+00> : vector<512x8xf32>
    %dot_general3A_65 = tpu.matmul %convert_element_type3A_63, %convert_element_type3A_57, %dot_general3A_64 {dimension_numbers = #tpu.dot_dimension_numbers<[1], [0], [0], [1], [0, 0, 1, 1], [], []>, transpose_lhs_hint = false} : vector<512x8xf32>, vector<8x8xf32>, vector<512x8xf32> -> vector<512x8xf32>
    %gt3A = arith.constant 0.000000e+00 : f32
    %gt3A_66 = vector.broadcast %gt3A : f32 to vector<512x8xf32>
    %gt3A_67 = arith.cmpf ogt, %convert_element_type3A_63, %gt3A_66 : vector<512x8xf32>
    %eq3A_68 = arith.constant 1.000000e+00 : f32
    %eq3A_69 = vector.broadcast %eq3A_68 : f32 to vector<512x8xf32>
    %eq3A_70 = arith.cmpf oeq, %dot_general3A_65, %eq3A_69 : vector<512x8xf32>
    %and3A = arith.andi %gt3A_67, %eq3A_70 : vector<512x8xi1>
    %jit3A = arith.constant -3.000000e+38 : f32
    %broadcast_in_dim3A_71 = vector.broadcast %jit3A : f32 to vector<512x8xf32>
    %select_n3A_72 = arith.select %and3A, %broadcast_in_dim3A_71, %add3A_54 : vector<512x8xi1>, vector<512x8xf32>
    %reduce_max3A_73 = arith.constant dense<0xFF800000> : vector<512xf32>
    %reduce_max3A_74 = vector.multi_reduction <maximumf>, %select_n3A_72, %reduce_max3A_73 [1] : vector<512x8xf32> to vector<512xf32>
    %broadcast_in_dim3A_75 = vector.shape_cast %reduce_max3A_74 : vector<512xf32> to vector<512x1xf32>
    %eq3A_76 = vector.broadcast %broadcast_in_dim3A_75 : vector<512x1xf32> to vector<512x8xf32>
    %eq3A_77 = arith.cmpf oeq, %select_n3A_72, %eq3A_76 : vector<512x8xf32>
    %convert_element_type3A_78 = arith.extui %eq3A_77 : vector<512x8xi1> to vector<512x8xi32>
    %convert_element_type3A_79 = arith.sitofp %convert_element_type3A_78 : vector<512x8xi32> to vector<512x8xf32>
    %dot_general3A_80 = arith.constant dense<0.000000e+00> : vector<512x8xf32>
    %dot_general3A_81 = tpu.matmul %convert_element_type3A_79, %convert_element_type3A_57, %dot_general3A_80 {dimension_numbers = #tpu.dot_dimension_numbers<[1], [0], [0], [1], [0, 0, 1, 1], [], []>, transpose_lhs_hint = false} : vector<512x8xf32>, vector<8x8xf32>, vector<512x8xf32> -> vector<512x8xf32>
    %gt3A_82 = arith.constant 0.000000e+00 : f32
    %gt3A_83 = vector.broadcast %gt3A_82 : f32 to vector<512x8xf32>
    %gt3A_84 = arith.cmpf ogt, %convert_element_type3A_79, %gt3A_83 : vector<512x8xf32>
    %eq3A_85 = arith.constant 1.000000e+00 : f32
    %eq3A_86 = vector.broadcast %eq3A_85 : f32 to vector<512x8xf32>
    %eq3A_87 = arith.cmpf oeq, %dot_general3A_81, %eq3A_86 : vector<512x8xf32>
    %and3A_88 = arith.andi %gt3A_84, %eq3A_87 : vector<512x8xi1>
    %or3A = arith.ori %and3A, %and3A_88 : vector<512x8xi1>
    %sub3A_89 = vector.broadcast %broadcast_in_dim3A_59 : vector<512x1xf32> to vector<512x8xf32>
    %sub3A_90 = arith.subf %add3A_54, %sub3A_89 : vector<512x8xf32>
    %exp3A_91 = math.exp %sub3A_90 : vector<512x8xf32>
    %jit3A_92 = arith.constant 0.000000e+00 : f32
    %broadcast_in_dim3A_93 = vector.broadcast %jit3A_92 : f32 to vector<512x8xf32>
    %select_n3A_94 = arith.select %or3A, %exp3A_91, %broadcast_in_dim3A_93 : vector<512x8xi1>, vector<512x8xf32>
    %reduce_sum3A_95 = arith.constant dense<0.000000e+00> : vector<512xf32>
    %reduce_sum3A_96 = vector.multi_reduction <add>, %select_n3A_94, %reduce_sum3A_95 [1] : vector<512x8xf32> to vector<512xf32>
    %broadcast_in_dim3A_97 = vector.shape_cast %reduce_sum3A_96 : vector<512xf32> to vector<512x1xf32>
    %div3A_98 = vector.broadcast %broadcast_in_dim3A_97 : vector<512x1xf32> to vector<512x8xf32>
    %div3A_99 = arith.divf %select_n3A_94, %div3A_98 : vector<512x8xf32>
    %swap3A_100 = arith.constant 0 : index
    %swap3A_101 = arith.constant 0 : index
    %swap3A_102 = vector.load %arg11[%swap3A_100, %swap3A_101] : memref<512x8xf32, #tpu.memory_space<vmem>>, vector<512x8xf32>
    tpu.vector_store %arg11[%swap3A_100, %swap3A_101], %div3A_99 {strides = array<i32>} : memref<512x8xf32, #tpu.memory_space<vmem>>, vector<512x8xf32>,
    %logistic3A = arith.negf %slice3A_41 : vector<512x1xf32>
    %logistic3A_103 = math.exp %logistic3A : vector<512x1xf32>
    %logistic3A_104 = arith.constant 1.000000e+00 : f32
    %logistic3A_105 = vector.broadcast %logistic3A_104 : f32 to vector<512x1xf32>
    %logistic3A_106 = arith.addf %logistic3A_105, %logistic3A_103 : vector<512x1xf32>
    %logistic3A_107 = arith.divf %logistic3A_105, %logistic3A_106 : vector<512x1xf32>
    %le3A_108 = arith.constant 5.000000e-01 : f32
    %le3A_109 = vector.broadcast %le3A_108 : f32 to vector<512x1xf32>
    %le3A_110 = arith.cmpf ole, %logistic3A_107, %le3A_109 : vector<512x1xf32>
    %convert_element_type3A_111 = arith.extui %le3A_110 : vector<512x1xi1> to vector<512x1xi32>
    %convert_element_type3A_112 = arith.sitofp %convert_element_type3A_111 : vector<512x1xi32> to vector<512x1xf32>
    %convert_element_type3A_113 = arith.extui %or3A : vector<512x8xi1> to vector<512x8xi32>
    %convert_element_type3A_114 = arith.sitofp %convert_element_type3A_113 : vector<512x8xi32> to vector<512x8xf32>
    %mul3A_115 = vector.broadcast %convert_element_type3A_112 : vector<512x1xf32> to vector<512x8xf32>
    %mul3A_116 = arith.mulf %convert_element_type3A_114, %mul3A_115 : vector<512x8xf32>
    %swap3A_117 = arith.constant 0 : index
    %swap3A_118 = arith.constant 0 : index
    %swap3A_119 = vector.load %arg10[%swap3A_117, %swap3A_118] : memref<512x8xf32, #tpu.memory_space<vmem>>, vector<512x8xf32>
    tpu.vector_store %arg10[%swap3A_117, %swap3A_118], %mul3A_116 {strides = array<i32>} : memref<512x8xf32, #tpu.memory_space<vmem>>, vector<512x8xf32>,
    %get3A_120 = arith.constant 0 : index
    %get3A_121 = arith.constant 0 : index
    %get3A_122 = vector.load %arg7[%get3A_120, %get3A_121] : memref<512x512xf32, #tpu.memory_space<vmem>>, vector<512x512xf32>
    %dot_general3A_123 = arith.constant dense<0.000000e+00> : vector<512x8xf32>
    %dot_general3A_124 = tpu.matmul %get3A_122, %mul3A_116, %dot_general3A_123 {dimension_numbers = #tpu.dot_dimension_numbers<[1], [0], [0], [1], [0, 0, 1, 1], [], []>, transpose_lhs_hint = false} : vector<512x512xf32>, vector<512x8xf32>, vector<512x8xf32> -> vector<512x8xf32>
    %get3A_125 = arith.constant 0 : index
    %get3A_126 = arith.constant 0 : index
    %get3A_127 = vector.load %arg14[%get3A_125, %get3A_126] : memref<1x16xf32, #tpu.memory_space<vmem>>, vector<1x8xf32>
    %add3A_128 = vector.broadcast %get3A_127 : vector<1x8xf32> to vector<512x8xf32>
    %add3A_129 = arith.addf %dot_general3A_124, %add3A_128 : vector<512x8xf32>
    %swap3A_130 = arith.constant 0 : index
    %swap3A_131 = arith.constant 0 : index
    %swap3A_132 = vector.load %arg9[%swap3A_130, %swap3A_131] : memref<512x8xf32, #tpu.memory_space<vmem>>, vector<512x8xf32>
    tpu.vector_store %arg9[%swap3A_130, %swap3A_131], %add3A_129 {strides = array<i32>} : memref<512x8xf32, #tpu.memory_space<vmem>>, vector<512x8xf32>,
    %iota3A_133 = tpu.iota {dimensions = array<i32: 1>} : vector<512x8xi32>
    %eq3A_134 = arith.constant 0 : i32
    %eq3A_135 = vector.broadcast %eq3A_134 : i32 to vector<512x8xi32>
    %eq3A_136 = arith.cmpi eq, %iota3A_133, %eq3A_135 : vector<512x8xi32>
    %jit3A_137 = arith.constant 0.000000e+00 : f32
    %broadcast_in_dim3A_138 = vector.shape_cast %convert_element_type3A_112 : vector<512x1xf32> to vector<512x1xf32>
    %broadcast_in_dim3A_139 = vector.broadcast %broadcast_in_dim3A_138 : vector<512x1xf32> to vector<512x8xf32>
    %broadcast_in_dim3A_140 = vector.broadcast %jit3A_137 : f32 to vector<512x8xf32>
    %select_n3A_141 = arith.select %eq3A_136, %broadcast_in_dim3A_139, %broadcast_in_dim3A_140 : vector<512x8xi1>, vector<512x8xf32>
    %swap3A_142 = arith.constant 0 : index
    %swap3A_143 = arith.constant 0 : index
    %swap3A_144 = vector.load %arg12[%swap3A_142, %swap3A_143] : memref<512x8xf32, #tpu.memory_space<vmem>>, vector<512x8xf32>
    tpu.vector_store %arg12[%swap3A_142, %swap3A_143], %select_n3A_141 {strides = array<i32>} : memref<512x8xf32, #tpu.memory_space<vmem>>, vector<512x8xf32>,
    %get3A_145 = arith.constant 0 : index
    %get3A_146 = arith.constant 0 : index
    %get3A_147 = vector.load %arg14[%get3A_145, %get3A_146] : memref<1x16xf32, #tpu.memory_space<vmem>>, vector<1x8xf32>
    %reduce_sum3A_148 = arith.constant dense<0.000000e+00> : vector<8xf32>
    %reduce_sum3A_149 = vector.multi_reduction <add>, %mul3A_116, %reduce_sum3A_148 [0] : vector<512x8xf32> to vector<8xf32>
    %broadcast_in_dim3A_150 = vector.shape_cast %reduce_sum3A_149 : vector<8xf32> to vector<1x8xf32>
    %add3A_151 = arith.addf %get3A_147, %broadcast_in_dim3A_150 : vector<1x8xf32>
    %get3A_152 = arith.constant 0 : index
    %get3A_153 = arith.constant 8 : index
    %get3A_154 = vector.load %arg14[%get3A_152, %get3A_153] : memref<1x16xf32, #tpu.memory_space<vmem>>, vector<1x1xf32>
    %reduce_sum3A_155 = vector.shape_cast %convert_element_type3A_112 : vector<512x1xf32> to vector<1x512x1xf32>
    %reduce_sum3A_156 = arith.constant dense<0.000000e+00> : vector<1xf32>
    %reduce_sum3A_157 = vector.multi_reduction <add>, %reduce_sum3A_155, %reduce_sum3A_156 [1, 2] : vector<1x512x1xf32> to vector<1xf32>
    %reduce_sum3A_158 = vector.shape_cast %reduce_sum3A_157 : vector<1xf32> to vector<1x1x1xf32>
    %reduce_sum3A_159 = vector.extract %reduce_sum3A_158[0, 0, 0] : f32 from vector<1x1x1xf32>
    %broadcast_in_dim3A_160 = vector.broadcast %reduce_sum3A_159 : f32 to vector<1x1xf32>
    %add3A_161 = arith.addf %get3A_154, %broadcast_in_dim3A_160 : vector<1x1xf32>
    %broadcast_in_dim3A_162 = arith.constant 0.000000e+00 : f32
    %broadcast_in_dim3A_163 = vector.broadcast %broadcast_in_dim3A_162 : f32 to vector<1x7xf32>
    %concatenate3A = tpu.concatenate %add3A_151, %add3A_161, %broadcast_in_dim3A_163 in 1 : vector<1x8xf32>, vector<1x1xf32>, vector<1x7xf32> -> vector<1x16xf32>
    %swap3A_164 = arith.constant 0 : index
    %swap3A_165 = arith.constant 0 : index
    %swap3A_166 = vector.load %arg14[%swap3A_164, %swap3A_165] : memref<1x16xf32, #tpu.memory_space<vmem>>, vector<1x16xf32>
    tpu.vector_store %arg14[%swap3A_164, %swap3A_165], %concatenate3A {strides = array<i32>} : memref<1x16xf32, #tpu.memory_space<vmem>>, vector<1x16xf32>,
    %swap3A_167 = arith.constant 0 : index
    %swap3A_168 = arith.constant 0 : index
    %swap3A_169 = vector.load %arg13[%swap3A_167, %swap3A_168] : memref<1x16xf32, #tpu.memory_space<vmem>>, vector<1x16xf32>
    tpu.vector_store %arg13[%swap3A_167, %swap3A_168], %concatenate3A {strides = array<i32>} : memref<1x16xf32, #tpu.memory_space<vmem>>, vector<1x16xf32>,
    return
  }
  func.func @transform_0(%arg0: i32) -> (i32, i32) {
    %c0_i32 = arith.constant 0 : i32
    %c0_i32_0 = arith.constant 0 : i32
    return %arg0, %c0_i32 : i32, i32
  }
  func.func @transform_1(%arg0: i32) -> (i32, i32) {
    %c0_i32 = arith.constant 0 : i32
    %c0_i32_0 = arith.constant 0 : i32
    %c0_i32_1 = arith.constant 0 : i32
    return %c0_i32, %c0_i32_0 : i32, i32
  }
  func.func @transform_2(%arg0: i32) -> (i32, i32) {
    %c0_i32 = arith.constant 0 : i32
    %c0_i32_0 = arith.constant 0 : i32
    %c0_i32_1 = arith.constant 0 : i32
    return %c0_i32, %c0_i32_0 : i32, i32
  }
  func.func @transform_3(%arg0: i32) -> (i32, i32) {
    %c0_i32 = arith.constant 0 : i32
    %c0_i32_0 = arith.constant 0 : i32
    %c0_i32_1 = arith.constant 0 : i32
    return %c0_i32, %c0_i32_0 : i32, i32
  }
  func.func @transform_4(%arg0: i32) -> (i32, i32) {
    %c0_i32 = arith.constant 0 : i32
    %c0_i32_0 = arith.constant 0 : i32
    %c0_i32_1 = arith.constant 0 : i32
    return %c0_i32, %c0_i32_0 : i32, i32
  }
  func.func @transform_5(%arg0: i32) -> (i32, i32) {
    %c0_i32 = arith.constant 0 : i32
    %c0_i32_0 = arith.constant 0 : i32
    return %arg0, %c0_i32 : i32, i32
  }
  func.func @transform_6(%arg0: i32) -> (i32, i32) {
    %c0_i32 = arith.constant 0 : i32
    %c0_i32_0 = arith.constant 0 : i32
    %c0_i32_1 = arith.constant 0 : i32
    return %c0_i32, %c0_i32_0 : i32, i32
  }
  func.func @transform_7(%arg0: i32) -> (i32, i32) {
    %c0_i32 = arith.constant 0 : i32
    %c0_i32_0 = arith.constant 0 : i32
    return %arg0, %c0_i32 : i32, i32
  }
  func.func @transform_8(%arg0: i32) -> (i32, i32) {
    %c0_i32 = arith.constant 0 : i32
    %c0_i32_0 = arith.constant 0 : i32
    return %arg0, %c0_i32 : i32, i32
  }
  func.func @transform_9(%arg0: i32) -> (i32, i32) {
    %c0_i32 = arith.constant 0 : i32
    %c0_i32_0 = arith.constant 0 : i32
    return %arg0, %c0_i32 : i32, i32
  }
  func.func @transform_10(%arg0: i32) -> (i32, i32) {
    %c0_i32 = arith.constant 0 : i32
    %c0_i32_0 = arith.constant 0 : i32
    return %arg0, %c0_i32 : i32, i32
  }
  func.func @transform_11(%arg0: i32) -> (i32, i32) {
    %c0_i32 = arith.constant 0 : i32
    %c0_i32_0 = arith.constant 0 : i32
    return %arg0, %c0_i32 : i32, i32
  }
  func.func @transform_12(%arg0: i32) -> (i32, i32) {
    %c0_i32 = arith.constant 0 : i32
    %c0_i32_0 = arith.constant 0 : i32
    %c0_i32_1 = arith.constant 0 : i32
    return %c0_i32, %c0_i32_0 : i32, i32
  }
}

module attributes {stable_mosaic.version = 14 : i64} {
  func.func @_ffn_body(%arg0: i32, %arg1: i32, %arg2: memref<1x16xf32, #tpu.memory_space<vmem>>, %arg3: memref<512x128xf32, #tpu.memory_space<vmem>>, %arg4: memref<1x128x512xbf16, #tpu.memory_space<vmem>>, %arg5: memref<1x1x512xf32, #tpu.memory_space<vmem>>, %arg6: memref<1x512x128xbf16, #tpu.memory_space<vmem>>, %arg7: memref<1x1x128xf32, #tpu.memory_space<vmem>>, %arg8: memref<512x128xf32, #tpu.memory_space<vmem>>) attributes {dimension_semantics = [#tpu.dimension_semantics<arbitrary>, #tpu.dimension_semantics<arbitrary>], iteration_bounds = array<i64: 8, 8>, scalar_prefetch = 0 : i64, scratch_operands = 0 : i64, tpu.core_type = #tpu.core_type<tc>, window_params = [{pipeline_mode = #tpu.pipeline_mode<synchronous>, transform_indices = @transform_0, window_bounds = array<i64: 1, 16>}, {transform_indices = @transform_1, window_bounds = array<i64: 512, 128>}, {transform_indices = @transform_2, window_bounds = array<i64: 1, 128, 512>}, {transform_indices = @transform_3, window_bounds = array<i64: 1, 1, 512>}, {transform_indices = @transform_4, window_bounds = array<i64: 1, 512, 128>}, {transform_indices = @transform_5, window_bounds = array<i64: 1, 1, 128>}, {transform_indices = @transform_6, window_bounds = array<i64: 512, 128>}]} {
    %iota3A = tpu.iota {dimensions = array<i32: 1>} : vector<1x16xi32>
    %eq3A = vector.broadcast %arg0 : i32 to vector<1x16xi32>
    %eq3A_0 = arith.cmpi eq, %iota3A, %eq3A : vector<1x16xi32>
    %get3A = arith.constant 0 : index
    %get3A_1 = arith.constant 0 : index
    %get3A_2 = vector.load %arg2[%get3A, %get3A_1] : memref<1x16xf32, #tpu.memory_space<vmem>>, vector<1x16xf32>
    %jit3A = arith.constant 0.000000e+00 : f32
    %broadcast_in_dim3A = vector.broadcast %jit3A : f32 to vector<1x16xf32>
    %select_n3A = arith.select %eq3A_0, %get3A_2, %broadcast_in_dim3A : vector<1x16xi1>, vector<1x16xf32>
    %reduce_sum3A = vector.shape_cast %select_n3A : vector<1x16xf32> to vector<1x1x16xf32>
    %reduce_sum3A_3 = arith.constant dense<0.000000e+00> : vector<1xf32>
    %reduce_sum3A_4 = vector.multi_reduction <add>, %reduce_sum3A, %reduce_sum3A_3 [1, 2] : vector<1x1x16xf32> to vector<1xf32>
    %reduce_sum3A_5 = vector.shape_cast %reduce_sum3A_4 : vector<1xf32> to vector<1x1x1xf32>
    %reduce_sum3A_6 = vector.extract %reduce_sum3A_5[0, 0, 0] : f32 from vector<1x1x1xf32>
    %get3A_7 = arith.constant 0 : index
    %get3A_8 = arith.constant 8 : index
    %get3A_9 = vector.load %arg2[%get3A_7, %get3A_8] : memref<1x16xf32, #tpu.memory_space<vmem>>, vector<1x1xf32>
    %get3A_10 = vector.extract %get3A_9[0, 0] : f32 from vector<1x1xf32>
    %mul3A = arith.constant 2.000000e+00 : f32
    %mul3A_11 = arith.mulf %get3A_10, %mul3A : f32
    %div3A = arith.constant 8.000000e+00 : f32
    %div3A_12 = arith.divf %mul3A_11, %div3A : f32
    %floor3A = math.floor %div3A_12 : f32
    %min3A = arith.minimumf %reduce_sum3A_6, %floor3A : f32
    %convert_element_type3A = arith.sitofp %arg1 : i32 to f32
    %mul3A_13 = arith.constant 5.120000e+02 : f32
    %mul3A_14 = arith.mulf %convert_element_type3A, %mul3A_13 : f32
    %lt3A = arith.cmpf olt, %mul3A_14, %min3A : f32
    %convert_element_type3A_15 = arith.extui %lt3A : i1 to i32
    %cond3A = arith.constant 0 : i32
    %cond3A_16 = arith.cmpi ne, %convert_element_type3A_15, %cond3A : i32
    scf.if %cond3A_16 {
      %get3A_17 = arith.constant 0 : index
      %get3A_18 = arith.constant 0 : index
      %get3A_19 = vector.load %arg3[%get3A_17, %get3A_18] : memref<512x128xf32, #tpu.memory_space<vmem>>, vector<512x128xf32>
      %convert_element_type3A_20 = arith.truncf %get3A_19 : vector<512x128xf32> to vector<512x128xbf16>
      %get3A_21 = arith.constant 0 : index
      %get3A_22 = arith.constant 0 : index
      %get3A_23 = arith.constant 0 : index
      %get3A_24 = vector.load %arg4[%get3A_21, %get3A_22, %get3A_23] : memref<1x128x512xbf16, #tpu.memory_space<vmem>>, vector<1x128x512xbf16>
      %get3A_25 = vector.shape_cast %get3A_24 : vector<1x128x512xbf16> to vector<128x512xbf16>
      %dot_general3A = arith.constant dense<0.000000e+00> : vector<512x512xf32>
      %dot_general3A_26 = tpu.matmul %convert_element_type3A_20, %get3A_25, %dot_general3A {dimension_numbers = #tpu.dot_dimension_numbers<[1], [0], [0], [1], [0, 0, 1, 1], [], []>, transpose_lhs_hint = false} : vector<512x128xbf16>, vector<128x512xbf16>, vector<512x512xf32> -> vector<512x512xf32>
      %get3A_27 = arith.constant 0 : index
      %get3A_28 = arith.constant 0 : index
      %get3A_29 = arith.constant 0 : index
      %get3A_30 = vector.load %arg5[%get3A_27, %get3A_28, %get3A_29] : memref<1x1x512xf32, #tpu.memory_space<vmem>>, vector<1x1x512xf32>
      %get3A_31 = vector.shape_cast %get3A_30 : vector<1x1x512xf32> to vector<1x512xf32>
      %add3A = vector.broadcast %get3A_31 : vector<1x512xf32> to vector<512x512xf32>
      %add3A_32 = arith.addf %dot_general3A_26, %add3A : vector<512x512xf32>
      %max3A = arith.constant 0.000000e+00 : f32
      %max3A_33 = vector.broadcast %max3A : f32 to vector<512x512xf32>
      %max3A_34 = arith.maximumf %add3A_32, %max3A_33 : vector<512x512xf32>
      %convert_element_type3A_35 = arith.truncf %max3A_34 : vector<512x512xf32> to vector<512x512xbf16>
      %get3A_36 = arith.constant 0 : index
      %get3A_37 = arith.constant 0 : index
      %get3A_38 = arith.constant 0 : index
      %get3A_39 = vector.load %arg6[%get3A_36, %get3A_37, %get3A_38] : memref<1x512x128xbf16, #tpu.memory_space<vmem>>, vector<1x512x128xbf16>
      %get3A_40 = vector.shape_cast %get3A_39 : vector<1x512x128xbf16> to vector<512x128xbf16>
      %dot_general3A_41 = arith.constant dense<0.000000e+00> : vector<512x128xf32>
      %dot_general3A_42 = tpu.matmul %convert_element_type3A_35, %get3A_40, %dot_general3A_41 {dimension_numbers = #tpu.dot_dimension_numbers<[1], [0], [0], [1], [0, 0, 1, 1], [], []>, transpose_lhs_hint = false} : vector<512x512xbf16>, vector<512x128xbf16>, vector<512x128xf32> -> vector<512x128xf32>
      %get3A_43 = arith.constant 0 : index
      %get3A_44 = arith.constant 0 : index
      %get3A_45 = arith.constant 0 : index
      %get3A_46 = vector.load %arg7[%get3A_43, %get3A_44, %get3A_45] : memref<1x1x128xf32, #tpu.memory_space<vmem>>, vector<1x1x128xf32>
      %get3A_47 = vector.shape_cast %get3A_46 : vector<1x1x128xf32> to vector<1x128xf32>
      %add3A_48 = vector.broadcast %get3A_47 : vector<1x128xf32> to vector<512x128xf32>
      %add3A_49 = arith.addf %dot_general3A_42, %add3A_48 : vector<512x128xf32>
      %swap3A = arith.constant 0 : index
      %swap3A_50 = arith.constant 0 : index
      %swap3A_51 = vector.load %arg8[%swap3A, %swap3A_50] : memref<512x128xf32, #tpu.memory_space<vmem>>, vector<512x128xf32>
      tpu.vector_store %arg8[%swap3A, %swap3A_50], %add3A_49 {strides = array<i32>} : memref<512x128xf32, #tpu.memory_space<vmem>>, vector<512x128xf32>,
    } else {
    }
    return
  }
  func.func @transform_0(%arg0: i32, %arg1: i32) -> (i32, i32) {
    %c0_i32 = arith.constant 0 : i32
    %c0_i32_0 = arith.constant 0 : i32
    %c0_i32_1 = arith.constant 0 : i32
    return %c0_i32, %c0_i32_0 : i32, i32
  }
  func.func @transform_1(%arg0: i32, %arg1: i32) -> (i32, i32) {
    %mul3A = arith.constant 8 : i32
    %mul3A_0 = arith.muli %arg0, %mul3A : i32
    %add3A = arith.addi %mul3A_0, %arg1 : i32
    %c0_i32 = arith.constant 0 : i32
    %c0_i32_1 = arith.constant 0 : i32
    return %add3A, %c0_i32 : i32, i32
  }
  func.func @transform_2(%arg0: i32, %arg1: i32) -> (i32, i32, i32) {
    %c0_i32 = arith.constant 0 : i32
    %c0_i32_0 = arith.constant 0 : i32
    %c0_i32_1 = arith.constant 0 : i32
    return %arg0, %c0_i32, %c0_i32_0 : i32, i32, i32
  }
  func.func @transform_3(%arg0: i32, %arg1: i32) -> (i32, i32, i32) {
    %c0_i32 = arith.constant 0 : i32
    %c0_i32_0 = arith.constant 0 : i32
    %c0_i32_1 = arith.constant 0 : i32
    return %arg0, %c0_i32, %c0_i32_0 : i32, i32, i32
  }
  func.func @transform_4(%arg0: i32, %arg1: i32) -> (i32, i32, i32) {
    %c0_i32 = arith.constant 0 : i32
    %c0_i32_0 = arith.constant 0 : i32
    %c0_i32_1 = arith.constant 0 : i32
    return %arg0, %c0_i32, %c0_i32_0 : i32, i32, i32
  }
  func.func @transform_5(%arg0: i32, %arg1: i32) -> (i32, i32, i32) {
    %c0_i32 = arith.constant 0 : i32
    %c0_i32_0 = arith.constant 0 : i32
    %c0_i32_1 = arith.constant 0 : i32
    return %arg0, %c0_i32, %c0_i32_0 : i32, i32, i32
  }
  func.func @transform_6(%arg0: i32, %arg1: i32) -> (i32, i32) {
    %mul3A = arith.constant 8 : i32
    %mul3A_0 = arith.muli %arg0, %mul3A : i32
    %add3A = arith.addi %mul3A_0, %arg1 : i32
    %c0_i32 = arith.constant 0 : i32
    %c0_i32_1 = arith.constant 0 : i32
    return %add3A, %c0_i32 : i32, i32
  }
}

module attributes {stable_mosaic.version = 14 : i64} {
  func.func @_combine_body(%arg0: i32, %arg1: memref<512x128xf32, #tpu.memory_space<vmem>>, %arg2: memref<512x128xf32, #tpu.memory_space<vmem>>, %arg3: memref<512x128xf32, #tpu.memory_space<vmem>>, %arg4: memref<512x128xf32, #tpu.memory_space<vmem>>, %arg5: memref<512x1xf32, #tpu.memory_space<vmem>>, %arg6: memref<512x1xf32, #tpu.memory_space<vmem>>, %arg7: memref<512x8xf32, #tpu.memory_space<vmem>>, %arg8: memref<512x128xf32, #tpu.memory_space<vmem>>) attributes {dimension_semantics = [#tpu.dimension_semantics<arbitrary>], iteration_bounds = array<i64: 32>, scalar_prefetch = 0 : i64, scratch_operands = 0 : i64, tpu.core_type = #tpu.core_type<tc>, window_params = [{transform_indices = @transform_0, window_bounds = array<i64: 512, 128>}, {transform_indices = @transform_1, window_bounds = array<i64: 512, 128>}, {transform_indices = @transform_2, window_bounds = array<i64: 512, 128>}, {transform_indices = @transform_3, window_bounds = array<i64: 512, 128>}, {transform_indices = @transform_4, window_bounds = array<i64: 512, 1>}, {transform_indices = @transform_5, window_bounds = array<i64: 512, 1>}, {transform_indices = @transform_6, window_bounds = array<i64: 512, 8>}, {transform_indices = @transform_7, window_bounds = array<i64: 512, 128>}]} {
    %get3A = arith.constant 0 : index
    %get3A_0 = arith.constant 0 : index
    %get3A_1 = vector.load %arg5[%get3A, %get3A_0] : memref<512x1xf32, #tpu.memory_space<vmem>>, vector<512x1xf32>
    %get3A_2 = arith.constant 0 : index
    %get3A_3 = arith.constant 0 : index
    %get3A_4 = vector.load %arg6[%get3A_2, %get3A_3] : memref<512x1xf32, #tpu.memory_space<vmem>>, vector<512x1xf32>
    %gt3A = arith.constant 0.000000e+00 : f32
    %gt3A_5 = vector.broadcast %gt3A : f32 to vector<512x1xf32>
    %gt3A_6 = arith.cmpf ogt, %get3A_1, %gt3A_5 : vector<512x1xf32>
    %get3A_7 = arith.constant 0 : index
    %get3A_8 = arith.constant 0 : index
    %get3A_9 = vector.load %arg3[%get3A_7, %get3A_8] : memref<512x128xf32, #tpu.memory_space<vmem>>, vector<512x128xf32>
    %jit3A = arith.constant 0.000000e+00 : f32
    %broadcast_in_dim3A = vector.shape_cast %gt3A_6 : vector<512x1xi1> to vector<512x1xi1>
    %broadcast_in_dim3A_10 = vector.broadcast %broadcast_in_dim3A : vector<512x1xi1> to vector<512x128xi1>
    %broadcast_in_dim3A_11 = vector.broadcast %jit3A : f32 to vector<512x128xf32>
    %select_n3A = arith.select %broadcast_in_dim3A_10, %get3A_9, %broadcast_in_dim3A_11 : vector<512x128xi1>, vector<512x128xf32>
    %mul3A = vector.broadcast %get3A_1 : vector<512x1xf32> to vector<512x128xf32>
    %mul3A_12 = arith.mulf %select_n3A, %mul3A : vector<512x128xf32>
    %gt3A_13 = arith.constant 0.000000e+00 : f32
    %gt3A_14 = vector.broadcast %gt3A_13 : f32 to vector<512x1xf32>
    %gt3A_15 = arith.cmpf ogt, %get3A_4, %gt3A_14 : vector<512x1xf32>
    %get3A_16 = arith.constant 0 : index
    %get3A_17 = arith.constant 0 : index
    %get3A_18 = vector.load %arg4[%get3A_16, %get3A_17] : memref<512x128xf32, #tpu.memory_space<vmem>>, vector<512x128xf32>
    %jit3A_19 = arith.constant 0.000000e+00 : f32
    %broadcast_in_dim3A_20 = vector.shape_cast %gt3A_15 : vector<512x1xi1> to vector<512x1xi1>
    %broadcast_in_dim3A_21 = vector.broadcast %broadcast_in_dim3A_20 : vector<512x1xi1> to vector<512x128xi1>
    %broadcast_in_dim3A_22 = vector.broadcast %jit3A_19 : f32 to vector<512x128xf32>
    %select_n3A_23 = arith.select %broadcast_in_dim3A_21, %get3A_18, %broadcast_in_dim3A_22 : vector<512x128xi1>, vector<512x128xf32>
    %mul3A_24 = vector.broadcast %get3A_4 : vector<512x1xf32> to vector<512x128xf32>
    %mul3A_25 = arith.mulf %select_n3A_23, %mul3A_24 : vector<512x128xf32>
    %add3A = arith.addf %mul3A_12, %mul3A_25 : vector<512x128xf32>
    %get3A_26 = arith.constant 0 : index
    %get3A_27 = arith.constant 0 : index
    %get3A_28 = vector.load %arg7[%get3A_26, %get3A_27] : memref<512x8xf32, #tpu.memory_space<vmem>>, vector<512x1xf32>
    %get3A_29 = arith.constant 0 : index
    %get3A_30 = arith.constant 0 : index
    %get3A_31 = vector.load %arg1[%get3A_29, %get3A_30] : memref<512x128xf32, #tpu.memory_space<vmem>>, vector<512x128xf32>
    %gt3A_32 = arith.constant 5.000000e-01 : f32
    %gt3A_33 = vector.broadcast %gt3A_32 : f32 to vector<512x1xf32>
    %gt3A_34 = arith.cmpf ogt, %get3A_28, %gt3A_33 : vector<512x1xf32>
    %get3A_35 = arith.constant 0 : index
    %get3A_36 = arith.constant 0 : index
    %get3A_37 = vector.load %arg2[%get3A_35, %get3A_36] : memref<512x128xf32, #tpu.memory_space<vmem>>, vector<512x128xf32>
    %broadcast_in_dim3A_38 = vector.shape_cast %gt3A_34 : vector<512x1xi1> to vector<512x1xi1>
    %broadcast_in_dim3A_39 = vector.broadcast %broadcast_in_dim3A_38 : vector<512x1xi1> to vector<512x128xi1>
    %select_n3A_40 = arith.select %broadcast_in_dim3A_39, %add3A, %get3A_37 : vector<512x128xi1>, vector<512x128xf32>
    %add3A_41 = arith.addf %get3A_31, %select_n3A_40 : vector<512x128xf32>
    %swap3A = arith.constant 0 : index
    %swap3A_42 = arith.constant 0 : index
    %swap3A_43 = vector.load %arg8[%swap3A, %swap3A_42] : memref<512x128xf32, #tpu.memory_space<vmem>>, vector<512x128xf32>
    tpu.vector_store %arg8[%swap3A, %swap3A_42], %add3A_41 {strides = array<i32>} : memref<512x128xf32, #tpu.memory_space<vmem>>, vector<512x128xf32>,
    return
  }
  func.func @transform_0(%arg0: i32) -> (i32, i32) {
    %c0_i32 = arith.constant 0 : i32
    %c0_i32_0 = arith.constant 0 : i32
    return %arg0, %c0_i32 : i32, i32
  }
  func.func @transform_1(%arg0: i32) -> (i32, i32) {
    %c0_i32 = arith.constant 0 : i32
    %c0_i32_0 = arith.constant 0 : i32
    return %arg0, %c0_i32 : i32, i32
  }
  func.func @transform_2(%arg0: i32) -> (i32, i32) {
    %c0_i32 = arith.constant 0 : i32
    %c0_i32_0 = arith.constant 0 : i32
    return %arg0, %c0_i32 : i32, i32
  }
  func.func @transform_3(%arg0: i32) -> (i32, i32) {
    %c0_i32 = arith.constant 0 : i32
    %c0_i32_0 = arith.constant 0 : i32
    return %arg0, %c0_i32 : i32, i32
  }
  func.func @transform_4(%arg0: i32) -> (i32, i32) {
    %c0_i32 = arith.constant 0 : i32
    %c0_i32_0 = arith.constant 0 : i32
    return %arg0, %c0_i32 : i32, i32
  }
  func.func @transform_5(%arg0: i32) -> (i32, i32) {
    %c0_i32 = arith.constant 0 : i32
    %c0_i32_0 = arith.constant 0 : i32
    return %arg0, %c0_i32 : i32, i32
  }
  func.func @transform_6(%arg0: i32) -> (i32, i32) {
    %c0_i32 = arith.constant 0 : i32
    %c0_i32_0 = arith.constant 0 : i32
    return %arg0, %c0_i32 : i32, i32
  }
  func.func @transform_7(%arg0: i32) -> (i32, i32) {
    %c0_i32 = arith.constant 0 : i32
    %c0_i32_0 = arith.constant 0 : i32
    return %arg0, %c0_i32 : i32, i32
  }
}

</mosaic_0001>

<sc_bundles>
// kernel: kernel.12.cloned.1.call-start
scs
__scs_entry_jumppad:
0x0: {  	(pc) =	sbr.rel $0x88, $3  }
0x1: {  	(tag) =	ssettag $0x0;
	lr =	simm.s32 $0x1  }
0x2: {  	[smem:$0x3F8D] =	sst lr;
	_ =	strace $0xD0000000  }
0x3: {  	_ = 	snop  }
0x4: {  	_ = 	snop  }
0x5: {  	_ = 	snop  }
0x6: {  	_ = 	snop  }
0x7: {  	_ = 	snop  }
__scs_overlays_trampoline_lowered:
0x8: {  	[smem:$0x3F9C] =	sst s0  }
0x9: {  	[smem:$0x3F9D] =	sst s1  }
0xa: {  	[smem:$0x3F9E] =	sst s2  }
0xb: {  	[smem:$0x3F9F] =	sst s3  }
0xc: {  	[smem:$0x3FA0] =	sst s4  }
0xd: {  	[smem:$0x3FA1] =	sst s5  }
0xe: {  	[smem:$0x3FA2] =	sst s6  }
0xf: {  	[smem:$0x3FA3] =	sst s7  }
0x10: {  	[smem:$0x3FA4] =	sst s8  }
0x11: {  	[smem:$0x3FA5] =	sst s9;
	s0 =	simm.s32 @!p0 $0x0  }
0x12: {  	s1 =	sld [smem:$0x3F8B];
	s0 =	simm.s32 @p0 $0x1  }
0x13: {  	[smem:$0x3FA6] =	sst s0;
	s0 =	simm.s32 @!p1 $0x0  }
0x14: {  	s2 =	sld [smem:$0x3F8A];
	s0 =	simm.s32 @p1 $0x1  }
0x15: {  	[smem:$0x3FA7] =	sst s0;
	s0 =	simm.s32 @!p2 $0x0  }
0x16: {  	s3 =	sld [smem:$0x3FDB];
	s0 =	simm.s32 @p2 $0x1  }
0x17: {  	s4 =	simm.s32 $0x1BF5;
	[smem:$0x3FA9] =	sst s0  }
0x18: {  	s0 =	sld [smem:$0x3F8C];
	_ =	swait.ge [sflag:s4], $0x0  }
0x19: {  	s7 =	sld [smem:$0x3F8D]  }
0x1a: {  	s8 =	sadd.s32 $0xFFFFE003, lr  }
0x1b: {  	s9 =	sadd.s32 $0xFFFFFEF7, lr;
	s5 =	simm.s32 $0xFFFFFFFF;
	p2 =	slt.u32 s8, $0xFFFFF086  }
0x1c: {  	p1 =	slt.u32 s9, $0xF7A;
	s5 =	simm.s32 @!p2 $0x0  }
0x1d: {  	s5 =	simm.s32 @p1 $0x1;
	p0 =	seq.s32 s7, s2  }
0x1e: {  	s7 =	smul.u32 @!p0 $0xF7A, s2;
	p2 =	seq.s32 @!p0 s5, $0x0  }
0x1f: {  	s9 =	smul.u32 $0xF7A, s1;
	s8 =	simm.s32 @!p0 $0x1BF5;
	p2 =	por !p2, p0  }
0x20: {  	[sflag:s8] =	ssyncset.s32 @!p0 $0xFFFFF086;
	s6 =	sadd.s32 @!p0 s3, s7;
	s7 =	simm.s32 @!p0 $0x108  }
0x21: {  	s3 =	sadd.s32 s3, s9;
	s6 =	sadd.s32 @!p0 $0x88, s6;
	s7 =	simm.s32 @p2 $0x1082  }
0x22: {  	[simem:s7], [sflag:s8] =	dma.local @!p0 [hbm:s6], $0xF7A  }
0x23: {  	s9 =	sor.u32 $0xD0000000, s2;
	s6 =	simm.s32 $0x108;
	_ =	swait.ge @!p0 [sflag:s8], $0x0  }
0x24: {  	s3 =	sadd.s32 $0x88, s3;
	s6 =	simm.s32 @!p1 $0x1082;
	[sflag:s4] =	ssyncset.s32 $0xFFFFF086  }
0x25: {  	[simem:s6], [sflag:s4] =	dma.local [hbm:s3], $0xF7A  }
0x26: {  	[smem:$0x3F8D] =	sst s1;
	(tag) =	ssettag s2;
	_ =	strace s9  }
0x27: {  	s1 =	sld [smem:$0x3F9D]  }
0x28: {  	s2 =	sld [smem:$0x3F9E]  }
0x29: {  	s4 =	sld [smem:$0x3FA0]  }
0x2a: {  	p0 =	seq.s32 s5, $0x0;
	s5 =	sld [smem:$0x3FA1]  }
0x2b: {  	s6 =	sld [smem:$0x3FA2]  }
0x2c: {  	s7 =	sld [smem:$0x3FA3]  }
0x2d: {  	s3 =	simm.s32 $0x108;
	s8 =	sld [smem:$0x3FA4]  }
0x2e: {  	s3 =	simm.s32 @!p0 $0x1082;
	s9 =	sld [smem:$0x3FA5]  }
0x2f: {  	lr =	sadd.s32 s0, s3;
	s0 =	sld [smem:$0x3F9C]  }
0x30: {  	s3 =	sld [smem:$0x3F9F]  }
0x31: {  	[smem:$0x3FA8] =	sst s10  }
0x32: {  	s10 =	sld [smem:$0x3FA6];
	_ =	sdelay $0x3  }
0x33: {  	p0 =	seq.s32 s10, $0x1;
	s10 =	sld [smem:$0x3FA8];
	_ =	sdelay $0x3  }
0x34: {  	[smem:$0x3FA8] =	sst s10  }
0x35: {  	s10 =	sld [smem:$0x3FA7];
	_ =	sdelay $0x3  }
0x36: {  	p1 =	seq.s32 s10, $0x1;
	s10 =	sld [smem:$0x3FA8];
	_ =	sdelay $0x3  }
0x37: {  	[smem:$0x3FA8] =	sst s10  }
0x38: {  	s10 =	sld [smem:$0x3FA9]  }
0x39: {  	_ = 	snop;
	(pc) =	sbr.ind lr, $3  }
0x3a: {  	_ = 	snop  }
0x3b: {  	_ = 	snop  }
0x3c: {  	p2 =	seq.s32 s10, $0x1;
	s10 =	sld [smem:$0x3FA8]  }
0x3d: {  	_ =	shalt  }
0x3e: {  	_ =	shalt  }
0x3f: {  	_ =	shalt  }
0x40: {  	_ =	shalt  }
0x41: {  	_ =	shalt  }
0x42: {  	_ =	shalt  }
0x43: {  	_ =	shalt  }
0x44: {  	_ =	shalt  }
0x45: {  	_ =	shalt  }
0x46: {  	_ =	shalt  }
0x47: {  	_ =	shalt  }
0x48: {  	_ =	shalt  }
0x49: {  	_ =	shalt  }
0x4a: {  	_ =	shalt  }
0x4b: {  	_ =	shalt  }
0x4c: {  	_ =	shalt  }
0x4d: {  	_ =	shalt  }
0x4e: {  	_ =	shalt  }
0x4f: {  	_ =	shalt  }
0x50: {  	_ =	shalt  }
0x51: {  	_ =	shalt  }
0x52: {  	_ =	shalt  }
0x53: {  	_ =	shalt  }
0x54: {  	_ =	shalt  }
0x55: {  	_ =	shalt  }
0x56: {  	_ =	shalt  }
0x57: {  	_ =	shalt  }
0x58: {  	_ =	shalt  }
0x59: {  	_ =	shalt  }
0x5a: {  	_ =	shalt  }
0x5b: {  	_ =	shalt  }
0x5c: {  	_ =	shalt  }
0x5d: {  	_ =	shalt  }
0x5e: {  	_ =	shalt  }
0x5f: {  	_ =	shalt  }
0x60: {  	_ =	shalt  }
0x61: {  	_ =	shalt  }
0x62: {  	_ =	shalt  }
0x63: {  	_ =	shalt  }
0x64: {  	_ =	shalt  }
0x65: {  	_ =	shalt  }
0x66: {  	_ =	shalt  }
0x67: {  	_ =	shalt  }
0x68: {  	_ =	shalt  }
0x69: {  	_ =	shalt  }
0x6a: {  	_ =	shalt  }
0x6b: {  	_ =	shalt  }
0x6c: {  	_ =	shalt  }
0x6d: {  	_ =	shalt  }
0x6e: {  	_ =	shalt  }
0x6f: {  	_ =	shalt  }
0x70: {  	_ =	shalt  }
0x71: {  	_ =	shalt  }
0x72: {  	_ =	shalt  }
0x73: {  	_ =	shalt  }
0x74: {  	_ =	shalt  }
0x75: {  	_ =	shalt  }
0x76: {  	_ =	shalt  }
0x77: {  	_ =	shalt  }
0x78: {  	_ =	shalt  }
0x79: {  	_ =	shalt  }
0x7a: {  	_ =	shalt  }
0x7b: {  	_ =	shalt  }
0x7c: {  	_ =	shalt  }
0x7d: {  	_ =	shalt  }
0x7e: {  	_ =	shalt  }
0x7f: {  	_ =	shalt  }
0x80: {  	_ =	shalt  }
0x81: {  	_ =	shalt  }
0x82: {  	_ =	shalt  }
0x83: {  	_ =	shalt  }
0x84: {  	_ =	shalt  }
0x85: {  	_ =	shalt  }
0x86: {  	_ =	shalt  }
0x87: {  	_ =	shalt  }
.Lfunc_end0:
.L_simem_size_0:
called_computation.1_lowered:
.L_overlay_start_0:
0x88: {  	s2 =	sld [smem:$0x3FD9]  }
0x89: {  	s3 =	sld [smem:$0x3FFE];
	_ =	sdelay $0x1  }
0x8a: {  	s1 =	srdreg.scid  }
0x8b: {  	s0 =	sand.u32 $0x1, s1  }
0x8c: {  	s16 =	sshll.u32 s0, $0xA;
	s2 =	sadd.s32 s3, s2  }
0x8d: {  	s2 =	sadd.s32 s2, s16  }
0x8e: {  	[smem:$0x3FB4] =	sst s2  }
0x8f: {  	_ = 	snop  }
0x90: {  	(tm) =	ssettm $0x1  }
0x91: {  	s17 =	sld [smem:$0x3FFB];
	_ =	sdelay $0x3  }
0x92: {  	_ =	strace s17  }
0x93: {  	s2 =	sld [smem:$0x3FFC];
	_ =	sdelay $0x3  }
0x94: {  	_ =	strace s2  }
0x95: {  	s2 =	sld [smem:$0x3FFD];
	_ =	sdelay $0x3  }
0x96: {  	_ =	strace s2  }
0x97: {  	_ =	strace $0x8FFFFFFF  }
0x98: {  	s18 =	sld [smem:$0x3FDB];
	_ =	sdelay $0x1  }
0x99: {  	s19 =	simm.s32 $_scs_section_size  }
0x9a: {  	s4 =	simm.s32 $_size__tile_overlayer_lowered;
	s5 =	simm.s32 $_tile_overlayer_lowered  }
0x9b: {  	s22 =	simm.s32 $0x1BFF;
	s21 =	sshll.u32 s5, $0x1;
	s2 =	sadd.s32 s19, s18  }
0x9c: {  	s6 =	simm.s32 $0x0;
	s20 =	sshll.u32 s4, $0x1;
	s4 =	sadd.s32 s21, s2  }
0x9d: {  	[timem:s6], [sflag:s22] =	dma.local [hbm:s4], s20  }
0x9e: {  	_ =	swait.ge [sflag:s22], s20  }
0x9f: {  	s3 =	ssub.s32 $0x0, s20;
	[sflag:s22] =	ssyncset.done $0x0  }
0xa0: {  	[sflag:s22] =	ssyncadd.s32 s3;
	_ =	sdelay $0x1  }
0xa1: {  	s23 =	simm.s32 $0x1B8B  }
0xa2: {  	_ =	swait.ge [sflag:s23], $0x1  }
0xa3: {  	[sflag:s23] =	ssyncset.done $0x0  }
0xa4: {  	s25 =	simm.s32 $0x1B8E;
	s24 =	sld [smem:$0x3FFE];
	[sflag:s23] =	ssyncadd.s32 $0xFFFFFFFF  }
0xa5: {  	s26 =	simm.s32 $execute0_lowered;
	[smem:$0x3FD2] =	sst s25  }
0xa6: {  	s4 =	sshll.u32 s26, $0x1;
	_ =	strace $0x80000049;
	[dreg:$0x1] =	wrdreg $0xFFFFFFFF  }
0xa7: {  	s28 =	simm.s32 $_size_execute0_lowered;
	s2 =	sadd.s32 s2, s4;
	[dreg:$0x0] =	wrdreg $0x0  }
0xa8: {  	s4 =	sshll.u32 s28, $0x1;
	[dreg:$0x2] =	wrdreg s2  }
0xa9: {  	[dreg:$0x3] =	wrdreg s4  }
0xaa: {  	[dreg:$0x4] =	wrdreg $0xC0  }
0xab: {  	_ =	task [dreg:s6], $0x5FFFF  }
0xac: {  	[dreg:$0x1] =	wrdreg $0xFFFFFFFF  }
0xad: {  	[dreg:$0x0] =	wrdreg $0x60  }
0xae: {  	[dreg:$0x2] =	wrdreg s24  }
0xaf: {  	[dreg:$0x3] =	wrdreg $0x9  }
0xb0: {  	_ =	task.clear_ibuf [dreg:s6], $0x4FFFF;
	_ =	strace $0x90000049  }
0xb1: {  	s29 =	simm.s32 $0x9;
	_ =	strace $0x8000004B  }
0xb2: {  	_ =	swait.ge [sflag:s29], $0x1  }
0xb3: {  	[sflag:s29] =	ssyncadd.s32 $0xFFFFFFFF  }
0xb4: {  	_ =	strace $0x9000004B  }
0xb5: {  	_ =	sfence  }
0xb6: {  	s30 =	sld [smem:$0x0];
	_ =	sdelay $0x2  }
0xb7: {  	s31 =	sshll.u32 s1, $0xD;
	s1 =	sshrl.u32 s1, $0x2  }
0xb8: {  	s3 =	sand.u32 $0x4000, s31;
	s1 =	sadd.s32 s1, s30  }
0xb9: {  	s0 =	sor.u32 s3, s0;
	s1 =	sshll.u32 s1, $0x11  }
0xba: {  	s0 =	sor.u32 s1, s0  }
0xbb: {  	s0 =	sadd.s32 $0x8F2B, s0  }
0xbc: {  	[sflag:s0] =	ssyncadd.remote.s32 $0x1  }
0xbd: {  	_ =	sfence.sel $0xFFFF  }
0xbe: {  	[dreg:$0x0] =	wrdreg $0xFFFFFFFF;
	(pc) =	sbr.abs _section_cstart, $3  }
0xbf: {  	[dreg:$0x1] =	wrdreg $0xFFFFFFFF  }
0xc0: {  	_ =	task.clear_ibuf [dreg:s6], $0x2FFFF;
	_ =	strace $0x9FFFFFFF  }
0xc1: {  	(tm) =	ssettm $0x7FFFFFFF  }
tec
execute0_lowered:
.L_overlay_start_1:
0x0: {  	(tag) =	ssettag $0x1  }
0x1: {  	s1 =	srdreg.scid  }
0x2: {  	s0 =	stileid.u32;
	s23 =	sand.u32 $0x1, s1  }
0x3: {  	s3 =	sshll.u32 s0, $0xA;
	s4 =	sshll.u32 s23, $0x9  }
0x4: {  	s16 =	rddreg [dreg:$0x0];
	s2 =	simm.s32 $0x0;
	s17 =	sor.u32 s4, s3  }
0x5: {  	[smem:$0x7FF] =	sst s2;
	s3 =	sshrl.u32 s17, $0x3  }
0x6: {  	s1 =	rddreg [dreg:$0x1];
	_ =	strace $0x8000004A;
	s5 =	sadd.s32 s3, s16  }
0x7: {  	s4 =	simm.s32 $0x10000;
	s3 =	sadd.s32 $0x101800, s5  }
0x8: {  	[tilespmem:s4], [sflag:$0x1] =	stream.linear.gather [hbm4b:s3+s2], $0x200, $0x38;
	[tilespmem:$0x10400] =	vst v63  }
0x9: {  	s7 =	simm.s32 $0x10200;
	s6 =	simm.s32 $0x1;
	s5 =	sadd.s32 $0x102000, s5  }
0xa: {  	[tilespmem:s7], [sflag:$0x1] =	stream.linear.gather [hbm4b:s5+s2], $0x200, $0x38;
	[tilespmem:$0x10400] =	vst v63  }
0xb: {  	_ =	swait.ge [sflag:s6], $0x200  }
0xc: {  	[sflag:s6] =	ssyncset.done $0x0  }
0xd: {  	[sflag:s6] =	ssyncadd.s32 $0xFFFFFE00  }
0xe: {  	_ =	swait.ge [sflag:s6], $0x200  }
0xf: {  	[sflag:s6] =	ssyncset.done $0x0  }
0x10: {  	s9 =	simm.s32 $0x80;
	s8 =	sadd.s32 $0x281A00, s16;
	[sflag:s6] =	ssyncadd.s32 $0xFFFFFE00  }
0x11: {  	[tilespmem:s2], [sflag:$0x2] =	stream.indirect.gather [hbm4b:s8+s9], $0x80, s4, s9, $0xb8;
	[tilespmem:$0x10400] =	vst v63  }
0x12: {  	s10 =	simm.s32 $0x8000  }
0x13: {  	[tilespmem:s10], [sflag:$0x2] =	stream.indirect.gather [hbm4b:s8+s9], $0x80, s7, s9, $0xb8;
	[tilespmem:$0x10400] =	vst v63  }
0x14: {  	s11 =	simm.s32 $0x10080;
	s12 =	simm.s32 $0x4000  }
0x15: {  	[tilespmem:s12], [sflag:$0x2] =	stream.indirect.gather [hbm4b:s8+s9], $0x80, s11, s9, $0xb8;
	[tilespmem:$0x10400] =	vst v63  }
0x16: {  	s13 =	simm.s32 $0x10280;
	s14 =	simm.s32 $0xC000;
	s15 =	simm.s32 $0x2  }
0x17: {  	[tilespmem:s14], [sflag:$0x2] =	stream.indirect.gather [hbm4b:s8+s9], $0x80, s13, s9, $0xb8;
	[tilespmem:$0x10400] =	vst v63  }
0x18: {  	_ =	swait.ge [sflag:s15], $0x4000  }
0x19: {  	[sflag:s15] =	ssyncset.done $0x0  }
0x1a: {  	[sflag:s15] =	ssyncadd.s32 $0xFFFFC000  }
0x1b: {  	_ =	swait.ge [sflag:s15], $0x4000  }
0x1c: {  	[sflag:s15] =	ssyncset.done $0x0  }
0x1d: {  	[sflag:s15] =	ssyncadd.s32 $0xFFFFC000  }
0x1e: {  	_ =	swait.ge [sflag:s15], $0x4000  }
0x1f: {  	[sflag:s15] =	ssyncset.done $0x0  }
0x20: {  	[sflag:s15] =	ssyncadd.s32 $0xFFFFC000  }
0x21: {  	_ =	swait.ge [sflag:s15], $0x4000  }
0x22: {  	s22 =	sadd.s32 $0x41800, s16;
	s24 =	sshll.u32 s17, $0x4;
	[sflag:s15] =	ssyncset.done $0x0  }
0x23: {  	s25 =	sadd.s32 $0x81800, s16;
	s16 =	sadd.s32 s22, s24;
	[sflag:s15] =	ssyncadd.s32 $0xFFFFC000  }
0x24: {  	[hbm4b:s16+s2] =	stream.linear.scatter [tilespmem:s2], [sflag:$0x1], $0x8000, $0x38;
	[tilespmem:$0x10400] =	vst v63  }
0x25: {  	s17 =	sadd.s32 s25, s24  }
0x26: {  	[hbm4b:s17+s2] =	stream.linear.scatter [tilespmem:s10], [sflag:$0x1], $0x8000, $0x38;
	[tilespmem:$0x10400] =	vst v63  }
0x27: {  	_ =	swait.ge [sflag:s6], $0x8000  }
0x28: {  	[sflag:s6] =	ssyncset.done $0x0  }
0x29: {  	[sflag:s6] =	ssyncadd.s32 $0xFFFF8000  }
0x2a: {  	_ =	swait.ge [sflag:s6], $0x8000  }
0x2b: {  	[sflag:s6] =	ssyncset.done $0x0  }
0x2c: {  	s18 =	simm.s32 $0x10100;
	[sflag:s6] =	ssyncadd.s32 $0xFFFF8000  }
0x2d: {  	[tilespmem:s2], [sflag:$0x2] =	stream.indirect.gather [hbm4b:s8+s9], $0x80, s18, s9, $0xb8;
	[tilespmem:$0x10400] =	vst v63  }
0x2e: {  	s19 =	simm.s32 $0x10300  }
0x2f: {  	[tilespmem:s10], [sflag:$0x2] =	stream.indirect.gather [hbm4b:s8+s9], $0x80, s19, s9, $0xb8;
	[tilespmem:$0x10400] =	vst v63  }
0x30: {  	s20 =	simm.s32 $0x10180  }
0x31: {  	[tilespmem:s12], [sflag:$0x2] =	stream.indirect.gather [hbm4b:s8+s9], $0x80, s20, s9, $0xb8;
	[tilespmem:$0x10400] =	vst v63  }
0x32: {  	s21 =	simm.s32 $0x10380  }
0x33: {  	[tilespmem:s14], [sflag:$0x2] =	stream.indirect.gather [hbm4b:s8+s9], $0x80, s21, s9, $0xb8;
	[tilespmem:$0x10400] =	vst v63  }
0x34: {  	_ =	swait.ge [sflag:s15], $0x4000  }
0x35: {  	[sflag:s15] =	ssyncset.done $0x0  }
0x36: {  	[sflag:s15] =	ssyncadd.s32 $0xFFFFC000  }
0x37: {  	_ =	swait.ge [sflag:s15], $0x4000  }
0x38: {  	[sflag:s15] =	ssyncset.done $0x0  }
0x39: {  	[sflag:s15] =	ssyncadd.s32 $0xFFFFC000  }
0x3a: {  	_ =	swait.ge [sflag:s15], $0x4000  }
0x3b: {  	[sflag:s15] =	ssyncset.done $0x0  }
0x3c: {  	s26 =	ssub.s32 $0x2, s23;
	s24 =	sor.u32 $0x1000, s24;
	[sflag:s15] =	ssyncadd.s32 $0xFFFFC000  }
0x3d: {  	s31 =	sshrl.u32 s26, $0x1;
	s22 =	sadd.s32 s22, s24;
	_ =	swait.ge [sflag:s15], $0x4000  }
0x3e: {  	s23 =	sadd.s32 s25, s24;
	s24 =	ssub.s32 s26, s31;
	[sflag:s15] =	ssyncset.done $0x0  }
0x3f: {  	s24 =	smax.u32 s24, $0x1;
	[sflag:s15] =	ssyncadd.s32 $0xFFFFC000  }
0x40: {  	[hbm4b:s22+s2] =	stream.linear.scatter [tilespmem:s2], [sflag:$0x1], $0x8000, $0x38;
	[tilespmem:$0x10400] =	vst v63  }
0x41: {  	p0 =	sne.s32 s24, $0x1  }
0x42: {  	[hbm4b:s23+s2] =	stream.linear.scatter [tilespmem:s10], [sflag:$0x1], $0x8000, $0x38;
	[tilespmem:$0x10400] =	vst v63  }
.Ltmp0:
0x43: {  	_ =	swait.ge [sflag:s6], $0x8000;
	(pc) =	sbr.rel @!p0 .LBB2_2-.Ltmp0, $4  }
0x44: {  	[sflag:s6] =	ssyncset.done $0x0  }
0x45: {  	[sflag:s6] =	ssyncadd.s32 $0xFFFF8000  }
0x46: {  	_ =	swait.ge [sflag:s6], $0x8000  }
0x47: {  	s24 =	sadd.s32 $0xFFFFFFFF, s24;
	[sflag:s6] =	ssyncset.done $0x0  }
.LBB2_1:
0x48: {  	p0 =	sne.s32 s24, $0x1;
	s24 =	sadd.s32 $0xFFFFFFFF, s24;
	[sflag:s6] =	ssyncadd.s32 $0xFFFF8000  }
0x49: {  	[tilespmem:s4], [sflag:$0x1] =	stream.linear.gather [hbm4b:s3+s2], $0x200, $0x38;
	[tilespmem:$0x10400] =	vst v63  }
0x4a: {  	_ = 	snop  }
0x4b: {  	[tilespmem:s7], [sflag:$0x1] =	stream.linear.gather [hbm4b:s5+s2], $0x200, $0x38;
	[tilespmem:$0x10400] =	vst v63  }
0x4c: {  	_ =	swait.ge [sflag:s6], $0x200  }
0x4d: {  	[sflag:s6] =	ssyncset.done $0x0  }
0x4e: {  	[sflag:s6] =	ssyncadd.s32 $0xFFFFFE00  }
0x4f: {  	_ =	swait.ge [sflag:s6], $0x200  }
0x50: {  	[sflag:s6] =	ssyncset.done $0x0  }
0x51: {  	[sflag:s6] =	ssyncadd.s32 $0xFFFFFE00  }
0x52: {  	[tilespmem:s2], [sflag:$0x2] =	stream.indirect.gather [hbm4b:s8+s9], $0x80, s4, s9, $0xb8;
	[tilespmem:$0x10400] =	vst v63  }
0x53: {  	_ = 	snop  }
0x54: {  	[tilespmem:s10], [sflag:$0x2] =	stream.indirect.gather [hbm4b:s8+s9], $0x80, s7, s9, $0xb8;
	[tilespmem:$0x10400] =	vst v63  }
0x55: {  	_ = 	snop  }
0x56: {  	[tilespmem:s12], [sflag:$0x2] =	stream.indirect.gather [hbm4b:s8+s9], $0x80, s11, s9, $0xb8;
	[tilespmem:$0x10400] =	vst v63  }
0x57: {  	_ = 	snop  }
0x58: {  	[tilespmem:s14], [sflag:$0x2] =	stream.indirect.gather [hbm4b:s8+s9], $0x80, s13, s9, $0xb8;
	[tilespmem:$0x10400] =	vst v63  }
0x59: {  	_ =	swait.ge [sflag:s15], $0x4000  }
0x5a: {  	[sflag:s15] =	ssyncset.done $0x0  }
0x5b: {  	[sflag:s15] =	ssyncadd.s32 $0xFFFFC000  }
0x5c: {  	_ =	swait.ge [sflag:s15], $0x4000  }
0x5d: {  	[sflag:s15] =	ssyncset.done $0x0  }
0x5e: {  	[sflag:s15] =	ssyncadd.s32 $0xFFFFC000  }
0x5f: {  	_ =	swait.ge [sflag:s15], $0x4000  }
0x60: {  	[sflag:s15] =	ssyncset.done $0x0  }
0x61: {  	[sflag:s15] =	ssyncadd.s32 $0xFFFFC000  }
0x62: {  	_ =	swait.ge [sflag:s15], $0x4000  }
0x63: {  	[sflag:s15] =	ssyncset.done $0x0  }
0x64: {  	[sflag:s15] =	ssyncadd.s32 $0xFFFFC000  }
0x65: {  	[hbm4b:s16+s2] =	stream.linear.scatter [tilespmem:s2], [sflag:$0x1], $0x8000, $0x38;
	[tilespmem:$0x10400] =	vst v63  }
0x66: {  	_ = 	snop  }
0x67: {  	[hbm4b:s17+s2] =	stream.linear.scatter [tilespmem:s10], [sflag:$0x1], $0x8000, $0x38;
	[tilespmem:$0x10400] =	vst v63  }
0x68: {  	_ =	swait.ge [sflag:s6], $0x8000  }
0x69: {  	[sflag:s6] =	ssyncset.done $0x0  }
0x6a: {  	[sflag:s6] =	ssyncadd.s32 $0xFFFF8000  }
0x6b: {  	_ =	swait.ge [sflag:s6], $0x8000  }
0x6c: {  	[sflag:s6] =	ssyncset.done $0x0  }
0x6d: {  	[sflag:s6] =	ssyncadd.s32 $0xFFFF8000  }
0x6e: {  	[tilespmem:s2], [sflag:$0x2] =	stream.indirect.gather [hbm4b:s8+s9], $0x80, s18, s9, $0xb8;
	[tilespmem:$0x10400] =	vst v63  }
0x6f: {  	_ = 	snop  }
0x70: {  	[tilespmem:s10], [sflag:$0x2] =	stream.indirect.gather [hbm4b:s8+s9], $0x80, s19, s9, $0xb8;
	[tilespmem:$0x10400] =	vst v63  }
0x71: {  	_ = 	snop  }
0x72: {  	[tilespmem:s12], [sflag:$0x2] =	stream.indirect.gather [hbm4b:s8+s9], $0x80, s20, s9, $0xb8;
	[tilespmem:$0x10400] =	vst v63  }
0x73: {  	_ = 	snop  }
0x74: {  	[tilespmem:s14], [sflag:$0x2] =	stream.indirect.gather [hbm4b:s8+s9], $0x80, s21, s9, $0xb8;
	[tilespmem:$0x10400] =	vst v63  }
0x75: {  	_ =	swait.ge [sflag:s15], $0x4000  }
0x76: {  	[sflag:s15] =	ssyncset.done $0x0  }
0x77: {  	[sflag:s15] =	ssyncadd.s32 $0xFFFFC000  }
0x78: {  	_ =	swait.ge [sflag:s15], $0x4000  }
0x79: {  	[sflag:s15] =	ssyncset.done $0x0  }
0x7a: {  	[sflag:s15] =	ssyncadd.s32 $0xFFFFC000  }
0x7b: {  	_ =	swait.ge [sflag:s15], $0x4000  }
0x7c: {  	[sflag:s15] =	ssyncset.done $0x0  }
0x7d: {  	[sflag:s15] =	ssyncadd.s32 $0xFFFFC000  }
0x7e: {  	_ =	swait.ge [sflag:s15], $0x4000  }
0x7f: {  	[sflag:s15] =	ssyncset.done $0x0  }
0x80: {  	[sflag:s15] =	ssyncadd.s32 $0xFFFFC000  }
0x81: {  	[hbm4b:s22+s2] =	stream.linear.scatter [tilespmem:s2], [sflag:$0x1], $0x8000, $0x38;
	[tilespmem:$0x10400] =	vst v63  }
0x82: {  	_ = 	snop  }
0x83: {  	[hbm4b:s23+s2] =	stream.linear.scatter [tilespmem:s10], [sflag:$0x1], $0x8000, $0x38;
	[tilespmem:$0x10400] =	vst v63  }
.Ltmp1:
0x84: {  	_ =	swait.ge [sflag:s6], $0x8000;
	(pc) =	sbr.rel @p0 .LBB2_1-.Ltmp1, $4  }
0x85: {  	[sflag:s6] =	ssyncset.done $0x0  }
0x86: {  	[sflag:s6] =	ssyncadd.s32 $0xFFFF8000  }
0x87: {  	_ =	swait.ge [sflag:s6], $0x8000  }
0x88: {  	[sflag:s6] =	ssyncset.done $0x0  }
.LBB2_2:
0x89: {  	[sflag:s6] =	ssyncadd.s32 $0xFFFF8000  }
0x8a: {  	_ =	sfence.sel $0x180000  }
0x8b: {  	[bflag:$0x0] =	sbarrier.arrive $0xFFFF  }
0x8c: {  	p0 =	sne.s32 s0, $0x0;
	_ =	strace $0x9000004A  }
0x8d: {  	s0 =	sadd.s32 @!p0 $0x100000, s1;
	[bflag:$0x2] =	sbarrier.arrive $0xFFFF  }
0x8e: {  	[sflag:s0] =	ssyncadd.tile.s32 @!p0 $0x1;
	_ =	shalt  }
.Lfunc_end2:
_tile_overlayer_lowered:
.L_overlay_start_2:
0x8f: {  	(tag) =	ssettag $0x2  }
0x90: {  	s0 =	rddreg [dreg:$0x0];
	s2 =	stileid.u32  }
0x91: {  	s1 =	rddreg [dreg:$0x1];
	p0 =	sne.s32 s2, $0x0  }
0x92: {  	s3 =	rddreg [dreg:$0x2];
	[bflag:$0x3] =	sbarrier.arrive $0xFFFF;
	s2 =	simm.s32 @!p0 $0x1C03  }
0x93: {  	[timem:s3], [sflag:s2] =	dma.local @!p0 [hbm:s0], s1  }
0x94: {  	s0 =	simm.s32 @!p0 $0x3  }
0x95: {  	_ =	swait.ge @!p0 [sflag:s0], s1  }
0x96: {  	s1 =	ssub.s32 @!p0 $0x0, s1;
	[sflag:s0] =	ssyncset.done @!p0 $0x0  }
0x97: {  	[sflag:s0] =	ssyncadd.s32 @!p0 s1  }
0x98: {  	[bflag:$0x3] =	sbarrier.arrive $0xFFFF  }
0x99: {  	_ =	shalt  }

// kernel: kernel.9.cloned.1.call-start
scs
__scs_entry_jumppad:
0x0: {  	(pc) =	sbr.rel $0x88, $3  }
0x1: {  	(tag) =	ssettag $0x0;
	lr =	simm.s32 $0x1  }
0x2: {  	[smem:$0x3F8D] =	sst lr;
	_ =	strace $0xD0000000  }
0x3: {  	_ = 	snop  }
0x4: {  	_ = 	snop  }
0x5: {  	_ = 	snop  }
0x6: {  	_ = 	snop  }
0x7: {  	_ = 	snop  }
__scs_overlays_trampoline_lowered:
0x8: {  	[smem:$0x3F9C] =	sst s0  }
0x9: {  	[smem:$0x3F9D] =	sst s1  }
0xa: {  	[smem:$0x3F9E] =	sst s2  }
0xb: {  	[smem:$0x3F9F] =	sst s3  }
0xc: {  	[smem:$0x3FA0] =	sst s4  }
0xd: {  	[smem:$0x3FA1] =	sst s5  }
0xe: {  	[smem:$0x3FA2] =	sst s6  }
0xf: {  	[smem:$0x3FA3] =	sst s7  }
0x10: {  	[smem:$0x3FA4] =	sst s8  }
0x11: {  	[smem:$0x3FA5] =	sst s9;
	s0 =	simm.s32 @!p0 $0x0  }
0x12: {  	s1 =	sld [smem:$0x3F8B];
	s0 =	simm.s32 @p0 $0x1  }
0x13: {  	[smem:$0x3FA6] =	sst s0;
	s0 =	simm.s32 @!p1 $0x0  }
0x14: {  	s2 =	sld [smem:$0x3F8A];
	s0 =	simm.s32 @p1 $0x1  }
0x15: {  	[smem:$0x3FA7] =	sst s0;
	s0 =	simm.s32 @!p2 $0x0  }
0x16: {  	s3 =	sld [smem:$0x3FDB];
	s0 =	simm.s32 @p2 $0x1  }
0x17: {  	s4 =	simm.s32 $0x1BF5;
	[smem:$0x3FA9] =	sst s0  }
0x18: {  	s0 =	sld [smem:$0x3F8C];
	_ =	swait.ge [sflag:s4], $0x0  }
0x19: {  	s7 =	sld [smem:$0x3F8D]  }
0x1a: {  	s8 =	sadd.s32 $0xFFFFE003, lr  }
0x1b: {  	s9 =	sadd.s32 $0xFFFFFEF7, lr;
	s5 =	simm.s32 $0xFFFFFFFF;
	p2 =	slt.u32 s8, $0xFFFFF086  }
0x1c: {  	p1 =	slt.u32 s9, $0xF7A;
	s5 =	simm.s32 @!p2 $0x0  }
0x1d: {  	s5 =	simm.s32 @p1 $0x1;
	p0 =	seq.s32 s7, s2  }
0x1e: {  	s7 =	smul.u32 @!p0 $0xF7A, s2;
	p2 =	seq.s32 @!p0 s5, $0x0  }
0x1f: {  	s9 =	smul.u32 $0xF7A, s1;
	s8 =	simm.s32 @!p0 $0x1BF5;
	p2 =	por !p2, p0  }
0x20: {  	[sflag:s8] =	ssyncset.s32 @!p0 $0xFFFFF086;
	s6 =	sadd.s32 @!p0 s3, s7;
	s7 =	simm.s32 @!p0 $0x108  }
0x21: {  	s3 =	sadd.s32 s3, s9;
	s6 =	sadd.s32 @!p0 $0x88, s6;
	s7 =	simm.s32 @p2 $0x1082  }
0x22: {  	[simem:s7], [sflag:s8] =	dma.local @!p0 [hbm:s6], $0xF7A  }
0x23: {  	s9 =	sor.u32 $0xD0000000, s2;
	s6 =	simm.s32 $0x108;
	_ =	swait.ge @!p0 [sflag:s8], $0x0  }
0x24: {  	s3 =	sadd.s32 $0x88, s3;
	s6 =	simm.s32 @!p1 $0x1082;
	[sflag:s4] =	ssyncset.s32 $0xFFFFF086  }
0x25: {  	[simem:s6], [sflag:s4] =	dma.local [hbm:s3], $0xF7A  }
0x26: {  	[smem:$0x3F8D] =	sst s1;
	(tag) =	ssettag s2;
	_ =	strace s9  }
0x27: {  	s1 =	sld [smem:$0x3F9D]  }
0x28: {  	s2 =	sld [smem:$0x3F9E]  }
0x29: {  	s4 =	sld [smem:$0x3FA0]  }
0x2a: {  	p0 =	seq.s32 s5, $0x0;
	s5 =	sld [smem:$0x3FA1]  }
0x2b: {  	s6 =	sld [smem:$0x3FA2]  }
0x2c: {  	s7 =	sld [smem:$0x3FA3]  }
0x2d: {  	s3 =	simm.s32 $0x108;
	s8 =	sld [smem:$0x3FA4]  }
0x2e: {  	s3 =	simm.s32 @!p0 $0x1082;
	s9 =	sld [smem:$0x3FA5]  }
0x2f: {  	lr =	sadd.s32 s0, s3;
	s0 =	sld [smem:$0x3F9C]  }
0x30: {  	s3 =	sld [smem:$0x3F9F]  }
0x31: {  	[smem:$0x3FA8] =	sst s10  }
0x32: {  	s10 =	sld [smem:$0x3FA6];
	_ =	sdelay $0x3  }
0x33: {  	p0 =	seq.s32 s10, $0x1;
	s10 =	sld [smem:$0x3FA8];
	_ =	sdelay $0x3  }
0x34: {  	[smem:$0x3FA8] =	sst s10  }
0x35: {  	s10 =	sld [smem:$0x3FA7];
	_ =	sdelay $0x3  }
0x36: {  	p1 =	seq.s32 s10, $0x1;
	s10 =	sld [smem:$0x3FA8];
	_ =	sdelay $0x3  }
0x37: {  	[smem:$0x3FA8] =	sst s10  }
0x38: {  	s10 =	sld [smem:$0x3FA9]  }
0x39: {  	_ = 	snop;
	(pc) =	sbr.ind lr, $3  }
0x3a: {  	_ = 	snop  }
0x3b: {  	_ = 	snop  }
0x3c: {  	p2 =	seq.s32 s10, $0x1;
	s10 =	sld [smem:$0x3FA8]  }
0x3d: {  	_ =	shalt  }
0x3e: {  	_ =	shalt  }
0x3f: {  	_ =	shalt  }
0x40: {  	_ =	shalt  }
0x41: {  	_ =	shalt  }
0x42: {  	_ =	shalt  }
0x43: {  	_ =	shalt  }
0x44: {  	_ =	shalt  }
0x45: {  	_ =	shalt  }
0x46: {  	_ =	shalt  }
0x47: {  	_ =	shalt  }
0x48: {  	_ =	shalt  }
0x49: {  	_ =	shalt  }
0x4a: {  	_ =	shalt  }
0x4b: {  	_ =	shalt  }
0x4c: {  	_ =	shalt  }
0x4d: {  	_ =	shalt  }
0x4e: {  	_ =	shalt  }
0x4f: {  	_ =	shalt  }
0x50: {  	_ =	shalt  }
0x51: {  	_ =	shalt  }
0x52: {  	_ =	shalt  }
0x53: {  	_ =	shalt  }
0x54: {  	_ =	shalt  }
0x55: {  	_ =	shalt  }
0x56: {  	_ =	shalt  }
0x57: {  	_ =	shalt  }
0x58: {  	_ =	shalt  }
0x59: {  	_ =	shalt  }
0x5a: {  	_ =	shalt  }
0x5b: {  	_ =	shalt  }
0x5c: {  	_ =	shalt  }
0x5d: {  	_ =	shalt  }
0x5e: {  	_ =	shalt  }
0x5f: {  	_ =	shalt  }
0x60: {  	_ =	shalt  }
0x61: {  	_ =	shalt  }
0x62: {  	_ =	shalt  }
0x63: {  	_ =	shalt  }
0x64: {  	_ =	shalt  }
0x65: {  	_ =	shalt  }
0x66: {  	_ =	shalt  }
0x67: {  	_ =	shalt  }
0x68: {  	_ =	shalt  }
0x69: {  	_ =	shalt  }
0x6a: {  	_ =	shalt  }
0x6b: {  	_ =	shalt  }
0x6c: {  	_ =	shalt  }
0x6d: {  	_ =	shalt  }
0x6e: {  	_ =	shalt  }
0x6f: {  	_ =	shalt  }
0x70: {  	_ =	shalt  }
0x71: {  	_ =	shalt  }
0x72: {  	_ =	shalt  }
0x73: {  	_ =	shalt  }
0x74: {  	_ =	shalt  }
0x75: {  	_ =	shalt  }
0x76: {  	_ =	shalt  }
0x77: {  	_ =	shalt  }
0x78: {  	_ =	shalt  }
0x79: {  	_ =	shalt  }
0x7a: {  	_ =	shalt  }
0x7b: {  	_ =	shalt  }
0x7c: {  	_ =	shalt  }
0x7d: {  	_ =	shalt  }
0x7e: {  	_ =	shalt  }
0x7f: {  	_ =	shalt  }
0x80: {  	_ =	shalt  }
0x81: {  	_ =	shalt  }
0x82: {  	_ =	shalt  }
0x83: {  	_ =	shalt  }
0x84: {  	_ =	shalt  }
0x85: {  	_ =	shalt  }
0x86: {  	_ =	shalt  }
0x87: {  	_ =	shalt  }
.Lfunc_end0:
.L_simem_size_0:
called_computation_lowered:
.L_overlay_start_0:
0x88: {  	s2 =	sld [smem:$0x3FD9]  }
0x89: {  	s3 =	sld [smem:$0x3FFE];
	_ =	sdelay $0x1  }
0x8a: {  	s1 =	srdreg.scid  }
0x8b: {  	s0 =	sand.u32 $0x1, s1  }
0x8c: {  	s16 =	sshll.u32 s0, $0xA;
	s2 =	sadd.s32 s3, s2  }
0x8d: {  	s2 =	sadd.s32 s2, s16  }
0x8e: {  	[smem:$0x3FB4] =	sst s2  }
0x8f: {  	_ = 	snop  }
0x90: {  	(tm) =	ssettm $0x1  }
0x91: {  	s17 =	sld [smem:$0x3FFB];
	_ =	sdelay $0x3  }
0x92: {  	_ =	strace s17  }
0x93: {  	s2 =	sld [smem:$0x3FFC];
	_ =	sdelay $0x3  }
0x94: {  	_ =	strace s2  }
0x95: {  	s2 =	sld [smem:$0x3FFD];
	_ =	sdelay $0x3  }
0x96: {  	_ =	strace s2  }
0x97: {  	_ =	strace $0x8FFFFFFF  }
0x98: {  	s18 =	sld [smem:$0x3FDB];
	_ =	sdelay $0x1  }
0x99: {  	s19 =	simm.s32 $_scs_section_size  }
0x9a: {  	s4 =	simm.s32 $_size__tile_overlayer_lowered;
	s5 =	simm.s32 $_tile_overlayer_lowered  }
0x9b: {  	s22 =	simm.s32 $0x1BFF;
	s21 =	sshll.u32 s5, $0x1;
	s2 =	sadd.s32 s19, s18  }
0x9c: {  	s6 =	simm.s32 $0x0;
	s20 =	sshll.u32 s4, $0x1;
	s4 =	sadd.s32 s21, s2  }
0x9d: {  	[timem:s6], [sflag:s22] =	dma.local [hbm:s4], s20  }
0x9e: {  	_ =	swait.ge [sflag:s22], s20  }
0x9f: {  	s3 =	ssub.s32 $0x0, s20;
	[sflag:s22] =	ssyncset.done $0x0  }
0xa0: {  	[sflag:s22] =	ssyncadd.s32 s3;
	_ =	sdelay $0x1  }
0xa1: {  	s23 =	simm.s32 $0x1B8B  }
0xa2: {  	_ =	swait.ge [sflag:s23], $0x1  }
0xa3: {  	[sflag:s23] =	ssyncset.done $0x0  }
0xa4: {  	s25 =	simm.s32 $0x1B8E;
	s24 =	sld [smem:$0x3FFE];
	[sflag:s23] =	ssyncadd.s32 $0xFFFFFFFF  }
0xa5: {  	s26 =	simm.s32 $execute0_lowered;
	[smem:$0x3FD2] =	sst s25  }
0xa6: {  	s4 =	sshll.u32 s26, $0x1;
	_ =	strace $0x80000046;
	[dreg:$0x1] =	wrdreg $0xFFFFFFFF  }
0xa7: {  	s28 =	simm.s32 $_size_execute0_lowered;
	s2 =	sadd.s32 s2, s4;
	[dreg:$0x0] =	wrdreg $0x0  }
0xa8: {  	s4 =	sshll.u32 s28, $0x1;
	[dreg:$0x2] =	wrdreg s2  }
0xa9: {  	[dreg:$0x3] =	wrdreg s4  }
0xaa: {  	[dreg:$0x4] =	wrdreg $0xC0  }
0xab: {  	_ =	task [dreg:s6], $0x5FFFF  }
0xac: {  	[dreg:$0x1] =	wrdreg $0xFFFFFFFF  }
0xad: {  	[dreg:$0x0] =	wrdreg $0x60  }
0xae: {  	[dreg:$0x2] =	wrdreg s24  }
0xaf: {  	[dreg:$0x3] =	wrdreg $0x9  }
0xb0: {  	_ =	task.clear_ibuf [dreg:s6], $0x4FFFF;
	_ =	strace $0x90000046  }
0xb1: {  	s29 =	simm.s32 $0x9;
	_ =	strace $0x80000048  }
0xb2: {  	_ =	swait.ge [sflag:s29], $0x1  }
0xb3: {  	[sflag:s29] =	ssyncadd.s32 $0xFFFFFFFF  }
0xb4: {  	_ =	strace $0x90000048  }
0xb5: {  	_ =	sfence  }
0xb6: {  	s30 =	sld [smem:$0x0];
	_ =	sdelay $0x2  }
0xb7: {  	s31 =	sshll.u32 s1, $0xD;
	s1 =	sshrl.u32 s1, $0x2  }
0xb8: {  	s3 =	sand.u32 $0x4000, s31;
	s1 =	sadd.s32 s1, s30  }
0xb9: {  	s0 =	sor.u32 s3, s0;
	s1 =	sshll.u32 s1, $0x11  }
0xba: {  	s0 =	sor.u32 s1, s0  }
0xbb: {  	s0 =	sadd.s32 $0x8F2B, s0  }
0xbc: {  	[sflag:s0] =	ssyncadd.remote.s32 $0x1  }
0xbd: {  	_ =	sfence.sel $0xFFFF  }
0xbe: {  	[dreg:$0x0] =	wrdreg $0xFFFFFFFF;
	(pc) =	sbr.abs _section_cstart, $3  }
0xbf: {  	[dreg:$0x1] =	wrdreg $0xFFFFFFFF  }
0xc0: {  	_ =	task.clear_ibuf [dreg:s6], $0x2FFFF;
	_ =	strace $0x9FFFFFFF  }
0xc1: {  	(tm) =	ssettm $0x7FFFFFFF  }
tec
execute0_lowered:
.L_overlay_start_1:
0x0: {  	(tag) =	ssettag $0x1  }
0x1: {  	s1 =	srdreg.scid  }
0x2: {  	s0 =	stileid.u32;
	s21 =	sand.u32 $0x1, s1  }
0x3: {  	s31 =	sshll.u32 s0, $0xA;
	s2 =	sshll.u32 s21, $0x9  }
0x4: {  	s9 =	rddreg [dreg:$0x0];
	s3 =	sor.u32 s2, s31  }
0x5: {  	s1 =	rddreg [dreg:$0x1];
	s2 =	simm.s32 $0x0;
	s4 =	sshll.u32 s3, $0x4  }
0x6: {  	[smem:$0x7FF] =	sst s2;
	s3 =	sshrl.u32 s3, $0x3;
	s4 =	sadd.s32 s4, s9  }
0x7: {  	_ =	strace $0x80000047;
	s6 =	sadd.s32 s3, s9;
	s3 =	sadd.s32 $0x1800, s4  }
0x8: {  	[tilespmem:s2], [sflag:$0x1] =	stream.linear.gather [hbm4b:s3+s2], $0x10000, $0x38;
	[tilespmem:$0x10400] =	vst v63  }
0x9: {  	s5 =	simm.s32 $0x10000;
	s4 =	sadd.s32 $0x101800, s6  }
0xa: {  	[tilespmem:s5], [sflag:$0x1] =	stream.linear.gather [hbm4b:s4+s2], $0x200, $0x38;
	[tilespmem:$0x10400] =	vst v63  }
0xb: {  	s7 =	simm.s32 $0x10200;
	s8 =	simm.s32 $0x1;
	s6 =	sadd.s32 $0x102000, s6  }
0xc: {  	[tilespmem:s7], [sflag:$0x1] =	stream.linear.gather [hbm4b:s6+s2], $0x200, $0x38;
	[tilespmem:$0x10400] =	vst v63  }
0xd: {  	_ =	swait.ge [sflag:s8], $0x10000  }
0xe: {  	[sflag:s8] =	ssyncset.done $0x0  }
0xf: {  	[sflag:s8] =	ssyncadd.s32 $0xFFFF0000  }
0x10: {  	_ =	swait.ge [sflag:s8], $0x200  }
0x11: {  	[sflag:s8] =	ssyncset.done $0x0  }
0x12: {  	[sflag:s8] =	ssyncadd.s32 $0xFFFFFE00  }
0x13: {  	_ =	swait.ge [sflag:s8], $0x200  }
0x14: {  	[sflag:s8] =	ssyncset.done $0x0  }
0x15: {  	s10 =	simm.s32 $0x80;
	s9 =	sadd.s32 $0x1C1800, s9;
	[sflag:s8] =	ssyncadd.s32 $0xFFFFFE00  }
0x16: {  	[hbm4b:s9+s10] =	stream.indirect.scatter [tilespmem:s2], [sflag:$0x2], $0x80, s5, s10, $0xb8;
	[tilespmem:$0x10400] =	vst v63  }
0x17: {  	_ = 	snop  }
0x18: {  	[hbm4b:s9+s10] =	stream.indirect.scatter [tilespmem:s2], [sflag:$0x2], $0x80, s7, s10, $0xb8;
	[tilespmem:$0x10400] =	vst v63  }
0x19: {  	s11 =	simm.s32 $0x10080;
	s12 =	simm.s32 $0x4000  }
0x1a: {  	[hbm4b:s9+s10] =	stream.indirect.scatter [tilespmem:s12], [sflag:$0x2], $0x80, s11, s10, $0xb8;
	[tilespmem:$0x10400] =	vst v63  }
0x1b: {  	s13 =	simm.s32 $0x10280  }
0x1c: {  	[hbm4b:s9+s10] =	stream.indirect.scatter [tilespmem:s12], [sflag:$0x2], $0x80, s13, s10, $0xb8;
	[tilespmem:$0x10400] =	vst v63  }
0x1d: {  	s14 =	simm.s32 $0x10100;
	s15 =	simm.s32 $0x8000  }
0x1e: {  	[hbm4b:s9+s10] =	stream.indirect.scatter [tilespmem:s15], [sflag:$0x2], $0x80, s14, s10, $0xb8;
	[tilespmem:$0x10400] =	vst v63  }
0x1f: {  	s16 =	simm.s32 $0x10300  }
0x20: {  	[hbm4b:s9+s10] =	stream.indirect.scatter [tilespmem:s15], [sflag:$0x2], $0x80, s16, s10, $0xb8;
	[tilespmem:$0x10400] =	vst v63  }
0x21: {  	s17 =	simm.s32 $0x10180;
	s18 =	simm.s32 $0xC000  }
0x22: {  	[hbm4b:s9+s10] =	stream.indirect.scatter [tilespmem:s18], [sflag:$0x2], $0x80, s17, s10, $0xb8;
	[tilespmem:$0x10400] =	vst v63  }
0x23: {  	s20 =	simm.s32 $0x10380;
	s19 =	simm.s32 $0x2  }
0x24: {  	[hbm4b:s9+s10] =	stream.indirect.scatter [tilespmem:s18], [sflag:$0x2], $0x80, s20, s10, $0xb8;
	[tilespmem:$0x10400] =	vst v63  }
0x25: {  	_ =	swait.ge [sflag:s19], $0x4000  }
0x26: {  	[sflag:s19] =	ssyncset.done $0x0  }
0x27: {  	[sflag:s19] =	ssyncadd.s32 $0xFFFFC000  }
0x28: {  	_ =	swait.ge [sflag:s19], $0x4000  }
0x29: {  	[sflag:s19] =	ssyncset.done $0x0  }
0x2a: {  	[sflag:s19] =	ssyncadd.s32 $0xFFFFC000  }
0x2b: {  	_ =	swait.ge [sflag:s19], $0x4000  }
0x2c: {  	[sflag:s19] =	ssyncset.done $0x0  }
0x2d: {  	[sflag:s19] =	ssyncadd.s32 $0xFFFFC000  }
0x2e: {  	_ =	swait.ge [sflag:s19], $0x4000  }
0x2f: {  	[sflag:s19] =	ssyncset.done $0x0  }
0x30: {  	[sflag:s19] =	ssyncadd.s32 $0xFFFFC000  }
0x31: {  	_ =	swait.ge [sflag:s19], $0x4000  }
0x32: {  	s21 =	ssub.s32 $0x2, s21;
	[sflag:s19] =	ssyncset.done $0x0  }
0x33: {  	s22 =	sshrl.u32 s21, $0x1;
	[sflag:s19] =	ssyncadd.s32 $0xFFFFC000  }
0x34: {  	s21 =	ssub.s32 s21, s22;
	_ =	swait.ge [sflag:s19], $0x4000  }
0x35: {  	s21 =	smax.u32 s21, $0x1;
	[sflag:s19] =	ssyncset.done $0x0  }
0x36: {  	p0 =	sne.s32 s21, $0x1;
	[sflag:s19] =	ssyncadd.s32 $0xFFFFC000  }
.Ltmp0:
0x37: {  	_ =	swait.ge [sflag:s19], $0x4000;
	(pc) =	sbr.rel @!p0 .LBB2_2-.Ltmp0, $4  }
0x38: {  	[sflag:s19] =	ssyncset.done $0x0  }
0x39: {  	[sflag:s19] =	ssyncadd.s32 $0xFFFFC000  }
0x3a: {  	_ =	swait.ge [sflag:s19], $0x4000  }
0x3b: {  	s21 =	sadd.s32 $0xFFFFFFFF, s21;
	[sflag:s19] =	ssyncset.done $0x0  }
.LBB2_1:
0x3c: {  	p0 =	sne.s32 s21, $0x1;
	s21 =	sadd.s32 $0xFFFFFFFF, s21;
	[sflag:s19] =	ssyncadd.s32 $0xFFFFC000  }
0x3d: {  	[tilespmem:s2], [sflag:$0x1] =	stream.linear.gather [hbm4b:s3+s2], $0x10000, $0x38;
	[tilespmem:$0x10400] =	vst v63  }
0x3e: {  	_ = 	snop  }
0x3f: {  	[tilespmem:s5], [sflag:$0x1] =	stream.linear.gather [hbm4b:s4+s2], $0x200, $0x38;
	[tilespmem:$0x10400] =	vst v63  }
0x40: {  	_ = 	snop  }
0x41: {  	[tilespmem:s7], [sflag:$0x1] =	stream.linear.gather [hbm4b:s6+s2], $0x200, $0x38;
	[tilespmem:$0x10400] =	vst v63  }
0x42: {  	_ =	swait.ge [sflag:s8], $0x10000  }
0x43: {  	[sflag:s8] =	ssyncset.done $0x0  }
0x44: {  	[sflag:s8] =	ssyncadd.s32 $0xFFFF0000  }
0x45: {  	_ =	swait.ge [sflag:s8], $0x200  }
0x46: {  	[sflag:s8] =	ssyncset.done $0x0  }
0x47: {  	[sflag:s8] =	ssyncadd.s32 $0xFFFFFE00  }
0x48: {  	_ =	swait.ge [sflag:s8], $0x200  }
0x49: {  	[sflag:s8] =	ssyncset.done $0x0  }
0x4a: {  	[sflag:s8] =	ssyncadd.s32 $0xFFFFFE00  }
0x4b: {  	[hbm4b:s9+s10] =	stream.indirect.scatter [tilespmem:s2], [sflag:$0x2], $0x80, s5, s10, $0xb8;
	[tilespmem:$0x10400] =	vst v63  }
0x4c: {  	_ = 	snop  }
0x4d: {  	[hbm4b:s9+s10] =	stream.indirect.scatter [tilespmem:s2], [sflag:$0x2], $0x80, s7, s10, $0xb8;
	[tilespmem:$0x10400] =	vst v63  }
0x4e: {  	_ = 	snop  }
0x4f: {  	[hbm4b:s9+s10] =	stream.indirect.scatter [tilespmem:s12], [sflag:$0x2], $0x80, s11, s10, $0xb8;
	[tilespmem:$0x10400] =	vst v63  }
0x50: {  	_ = 	snop  }
0x51: {  	[hbm4b:s9+s10] =	stream.indirect.scatter [tilespmem:s12], [sflag:$0x2], $0x80, s13, s10, $0xb8;
	[tilespmem:$0x10400] =	vst v63  }
0x52: {  	_ = 	snop  }
0x53: {  	[hbm4b:s9+s10] =	stream.indirect.scatter [tilespmem:s15], [sflag:$0x2], $0x80, s14, s10, $0xb8;
	[tilespmem:$0x10400] =	vst v63  }
0x54: {  	_ = 	snop  }
0x55: {  	[hbm4b:s9+s10] =	stream.indirect.scatter [tilespmem:s15], [sflag:$0x2], $0x80, s16, s10, $0xb8;
	[tilespmem:$0x10400] =	vst v63  }
0x56: {  	_ = 	snop  }
0x57: {  	[hbm4b:s9+s10] =	stream.indirect.scatter [tilespmem:s18], [sflag:$0x2], $0x80, s17, s10, $0xb8;
	[tilespmem:$0x10400] =	vst v63  }
0x58: {  	_ = 	snop  }
0x59: {  	[hbm4b:s9+s10] =	stream.indirect.scatter [tilespmem:s18], [sflag:$0x2], $0x80, s20, s10, $0xb8;
	[tilespmem:$0x10400] =	vst v63  }
0x5a: {  	_ =	swait.ge [sflag:s19], $0x4000  }
0x5b: {  	[sflag:s19] =	ssyncset.done $0x0  }
0x5c: {  	[sflag:s19] =	ssyncadd.s32 $0xFFFFC000  }
0x5d: {  	_ =	swait.ge [sflag:s19], $0x4000  }
0x5e: {  	[sflag:s19] =	ssyncset.done $0x0  }
0x5f: {  	[sflag:s19] =	ssyncadd.s32 $0xFFFFC000  }
0x60: {  	_ =	swait.ge [sflag:s19], $0x4000  }
0x61: {  	[sflag:s19] =	ssyncset.done $0x0  }
0x62: {  	[sflag:s19] =	ssyncadd.s32 $0xFFFFC000  }
0x63: {  	_ =	swait.ge [sflag:s19], $0x4000  }
0x64: {  	[sflag:s19] =	ssyncset.done $0x0  }
0x65: {  	[sflag:s19] =	ssyncadd.s32 $0xFFFFC000  }
0x66: {  	_ =	swait.ge [sflag:s19], $0x4000  }
0x67: {  	[sflag:s19] =	ssyncset.done $0x0  }
0x68: {  	[sflag:s19] =	ssyncadd.s32 $0xFFFFC000  }
0x69: {  	_ =	swait.ge [sflag:s19], $0x4000  }
0x6a: {  	[sflag:s19] =	ssyncset.done $0x0  }
0x6b: {  	[sflag:s19] =	ssyncadd.s32 $0xFFFFC000  }
.Ltmp1:
0x6c: {  	_ =	swait.ge [sflag:s19], $0x4000;
	(pc) =	sbr.rel @p0 .LBB2_1-.Ltmp1, $4  }
0x6d: {  	[sflag:s19] =	ssyncset.done $0x0  }
0x6e: {  	[sflag:s19] =	ssyncadd.s32 $0xFFFFC000  }
0x6f: {  	_ =	swait.ge [sflag:s19], $0x4000  }
0x70: {  	[sflag:s19] =	ssyncset.done $0x0  }
.LBB2_2:
0x71: {  	[sflag:s19] =	ssyncadd.s32 $0xFFFFC000  }
0x72: {  	_ =	sfence.sel $0x180000  }
0x73: {  	[bflag:$0x0] =	sbarrier.arrive $0xFFFF  }
0x74: {  	p0 =	sne.s32 s0, $0x0;
	_ =	strace $0x90000047  }
0x75: {  	s0 =	sadd.s32 @!p0 $0x100000, s1;
	[bflag:$0x2] =	sbarrier.arrive $0xFFFF  }
0x76: {  	[sflag:s0] =	ssyncadd.tile.s32 @!p0 $0x1;
	_ =	shalt  }
.Lfunc_end2:
_tile_overlayer_lowered:
.L_overlay_start_2:
0x77: {  	(tag) =	ssettag $0x2  }
0x78: {  	s0 =	rddreg [dreg:$0x0];
	s2 =	stileid.u32  }
0x79: {  	s1 =	rddreg [dreg:$0x1];
	p0 =	sne.s32 s2, $0x0  }
0x7a: {  	s3 =	rddreg [dreg:$0x2];
	[bflag:$0x3] =	sbarrier.arrive $0xFFFF;
	s2 =	simm.s32 @!p0 $0x1C03  }
0x7b: {  	[timem:s3], [sflag:s2] =	dma.local @!p0 [hbm:s0], s1  }
0x7c: {  	s0 =	simm.s32 @!p0 $0x3  }
0x7d: {  	_ =	swait.ge @!p0 [sflag:s0], s1  }
0x7e: {  	s1 =	ssub.s32 @!p0 $0x0, s1;
	[sflag:s0] =	ssyncset.done @!p0 $0x0  }
0x7f: {  	[sflag:s0] =	ssyncadd.s32 @!p0 s1  }
0x80: {  	[bflag:$0x3] =	sbarrier.arrive $0xFFFF  }
0x81: {  	_ =	shalt  }

</sc_bundles>
